<compile_context>
chip_gen: v7x
topology: tpu7x:2x2x1
jax: 0.10.2.dev20260603
libtpu: 0.0.44.dev20260713+nightly
codegen_flags: <defaults>
</compile_context>

<pallas_src>
import functools

import jax
import jax.numpy as jnp
from jax import lax
from jax.experimental import pallas as pl
from jax.experimental.pallas import tpu as pltpu
from jax.experimental.pallas import tpu_sc as plsc

N_SC = 2
N_TILE = 16
NW = N_SC * N_TILE

CH = 80


def _sc_segment_sums(node_features, senders_r, receivers_r, edges_r,
                     zA, zE, zD, ones, n_pad, nch):
    n_nodes, d_feat = node_features.shape
    d_edge = edges_r.shape[-1]
    rows_per_tile = n_pad // N_TILE
    nz = rows_per_tile // CH

    mesh = plsc.VectorSubcoreMesh(core_axis_name="c", subcore_axis_name="s")

    @functools.partial(
        pl.kernel,
        out_type=[
            jax.ShapeDtypeStruct((N_SC, n_pad, d_feat), jnp.float32),
            jax.ShapeDtypeStruct((N_SC, n_pad, d_edge), jnp.float32),
            jax.ShapeDtypeStruct((N_SC, n_pad), jnp.float32),
        ],
        mesh=mesh,
        scratch_types=[
            pltpu.VMEM((nch * CH,), jnp.int32),
            [pltpu.VMEM((CH,), jnp.int32) for _ in range(2)],
            [pltpu.VMEM((CH, d_feat), jnp.float32) for _ in range(2)],
            [pltpu.VMEM((CH, d_edge), jnp.float32) for _ in range(2)],
            pltpu.VMEM((CH,), jnp.float32),
            pltpu.VMEM_SHARED((n_pad, d_feat), jnp.float32),
            pltpu.VMEM_SHARED((n_pad, d_edge), jnp.float32),
            pltpu.VMEM_SHARED((n_pad,), jnp.float32),
            [pltpu.SemaphoreType.DMA for _ in range(6)],
        ],
        compiler_params=pltpu.CompilerParams(use_tc_tiling_on_sc=False),
    )
    def sc_kernel(node_hbm, s_hbm, r_hbm, e_hbm, zA_hbm, zE_hbm, zD_hbm,
                  ones_hbm, out_raw, out_e, out_deg,
                  sidx_all, ridx, rows, erows, ones_v,
                  acc_raw, acc_e, acc_deg, sems):
        c = lax.axis_index("c")
        s = lax.axis_index("s")
        wid = c * N_TILE + s
        base = s * rows_per_tile
        gsem = sems[0:2]
        esem = sems[2:4]
        ssem = sems[4:6]

        pltpu.sync_copy(zA_hbm, rows[0])
        pltpu.sync_copy(zE_hbm, erows[0])
        pltpu.sync_copy(zD_hbm, ones_v)
        for k in range(nz):
            pltpu.sync_copy(rows[0], acc_raw.at[pl.ds(base + k * CH, CH)])
            pltpu.sync_copy(erows[0], acc_e.at[pl.ds(base + k * CH, CH)])
            pltpu.sync_copy(ones_v, acc_deg.at[pl.ds(base + k * CH, CH)])

        pltpu.sync_copy(ones_hbm, ones_v)
        ebase = wid * (nch * CH)
        pltpu.sync_copy(s_hbm.at[pl.ds(ebase, nch * CH)], sidx_all)

        plsc.subcore_barrier()

        def start(j, p):
            off = ebase + j * CH
            pltpu.sync_copy(r_hbm.at[pl.ds(off, CH)], ridx[p])
            g = pltpu.async_copy(node_hbm.at[sidx_all.at[pl.ds(j * CH, CH)]],
                                 rows[p], gsem[p])
            el = pltpu.async_copy(e_hbm.at[pl.ds(off, CH)], erows[p], esem[p])
            return g, el

        def scatter(p):
            s1 = pltpu.async_copy(rows[p], acc_raw.at[ridx[p]], ssem[p],
                                  add=True)
            s2 = pltpu.async_copy(erows[p], acc_e.at[ridx[p]], ssem[p],
                                  add=True)
            s3 = pltpu.async_copy(ones_v, acc_deg.at[ridx[p]], ssem[p],
                                  add=True)
            return s1, s2, s3

        def pair_body(jj, carry):
            g0, e0 = start(2 * jj, 0)
            g1, e1 = start(2 * jj + 1, 1)
            g0.wait()
            e0.wait()
            sc0 = scatter(0)
            g1.wait()
            e1.wait()
            sc1 = scatter(1)
            for d in sc0 + sc1:
                d.wait()
            return carry

        lax.fori_loop(0, nch // 2, pair_body, jnp.int32(0))

        for j in range(nch - (nch % 2), nch):
            g, el = start(j, 0)
            g.wait()
            el.wait()
            for d in scatter(0):
                d.wait()

        plsc.subcore_barrier()

        pltpu.sync_copy(acc_raw.at[pl.ds(base, rows_per_tile)],
                        out_raw.at[c].at[pl.ds(base, rows_per_tile)])
        pltpu.sync_copy(acc_e.at[pl.ds(base, rows_per_tile)],
                        out_e.at[c].at[pl.ds(base, rows_per_tile)])
        pltpu.sync_copy(acc_deg.at[pl.ds(base, rows_per_tile)],
                        out_deg.at[c].at[pl.ds(base, rows_per_tile)])

    return sc_kernel(node_features, senders_r, receivers_r, edges_r,
                     zA, zE, zD, ones)


def _tc_combine(node_features, W, b2, We, be2, raw_p, se_p, deg_p):
    n_nodes, d_feat = node_features.shape
    d_out = W.shape[1] // 2
    d_edge = We.shape[0]
    blk = 2048
    grid = ((n_nodes + blk - 1) // blk,)

    def tc_kernel(x_ref, w_ref, b_ref, we_ref, be_ref, raw_ref, se_ref,
                  deg_ref, out_ref):
        w = w_ref[...]
        xi = jnp.dot(x_ref[...], w[:, :d_out],
                     preferred_element_type=jnp.float32)
        raw = raw_ref[0] + raw_ref[1]
        se = se_ref[0] + se_ref[1]
        deg = (deg_ref[0] + deg_ref[1])[:, None]
        num = jnp.dot(raw, w[:, d_out:], preferred_element_type=jnp.float32)
        num = num + jnp.dot(se, we_ref[...],
                            preferred_element_type=jnp.float32)
        num = num + deg * (b_ref[:, d_out:] + be_ref[...])
        out_ref[...] = xi + b_ref[:, :d_out] + num / (deg + 1e-6)

    return pl.pallas_call(
        tc_kernel,
        grid=grid,
        in_specs=[
            pl.BlockSpec((blk, d_feat), lambda i: (i, 0)),
            pl.BlockSpec((d_feat, 2 * d_out), lambda i: (0, 0)),
            pl.BlockSpec((1, 2 * d_out), lambda i: (0, 0)),
            pl.BlockSpec((d_edge, d_out), lambda i: (0, 0)),
            pl.BlockSpec((1, d_out), lambda i: (0, 0)),
            pl.BlockSpec((N_SC, blk, d_out), lambda i: (0, i, 0)),
            pl.BlockSpec((N_SC, blk, d_edge), lambda i: (0, i, 0)),
            pl.BlockSpec((N_SC, blk), lambda i: (0, i)),
        ],
        out_specs=pl.BlockSpec((blk, d_out), lambda i: (i, 0)),
        out_shape=jax.ShapeDtypeStruct((n_nodes, d_out), jnp.float32),
    )(node_features, W, b2, We, be2, raw_p, se_p, deg_p)


def kernel(node_features, senders, receivers, edge_features, W, b, We, be):
    n_nodes, d_feat = node_features.shape
    e = senders.shape[0]
    d_edge = edge_features.shape[1]

    e_per_w = e // NW
    nch = e_per_w // CH
    rpt = (n_nodes + N_TILE - 1) // N_TILE
    rows_per_tile = ((rpt + CH - 1) // CH) * CH
    n_pad = rows_per_tile * N_TILE

    senders_r = senders
    receivers_r = receivers
    edges_r = edge_features

    zA = jnp.zeros((CH, d_feat), jnp.float32)
    zE = jnp.zeros((CH, d_edge), jnp.float32)
    zD = jnp.zeros((CH,), jnp.float32)
    ones = jnp.ones((CH,), jnp.float32)

    raw_p, se_p, deg_p = _sc_segment_sums(
        node_features, senders_r, receivers_r, edges_r, zA, zE, zD, ones,
        n_pad, nch)

    return _tc_combine(node_features, W, b.reshape(1, -1), We,
                       be.reshape(1, -1), raw_p, se_p, deg_p)

# --- scband reference (transcript-rebuilt; emitter-appended) ---
"""Pipeline reference for scband-graph-sage-30562987278723 (READ-ONLY COPY).

The authoritative reference and input builder live on the scoring server;
editing this copy changes nothing except your own understanding.
"""

import jax, jax.numpy as jnp
import numpy as np

N_NODES = 10000
N_EDGES = 320000
D_FEAT = 128
D_EDGE = 16
EMBED_DIM = 128


def setup_inputs(seed: int = 0) -> dict:
    key = jax.random.key(seed)
    k1, k2, k3, k4, k5, k6, k7, k8 = jax.random.split(key, 8)
    node_features = jax.random.normal(k1, (N_NODES, D_FEAT), dtype=jnp.float32)
    senders = jax.random.randint(k2, (N_EDGES,), 0, N_NODES, dtype=jnp.int32)
    receivers = jax.random.randint(k3, (N_EDGES,), 0, N_NODES, dtype=jnp.int32)
    edge_features = jax.random.normal(k4, (N_EDGES, D_EDGE), dtype=jnp.float32)
    # Dense W: in D_FEAT -> 2*EMBED_DIM (xavier-normal-like scale)
    W = jax.random.normal(k5, (D_FEAT, 2 * EMBED_DIM), dtype=jnp.float32) * jnp.sqrt(2.0 / (D_FEAT + 2 * EMBED_DIM))
    b = jnp.zeros((2 * EMBED_DIM,), dtype=jnp.float32)
    # Dense W_e: D_EDGE -> EMBED_DIM
    We = jax.random.normal(k6, (D_EDGE, EMBED_DIM), dtype=jnp.float32) * jnp.sqrt(2.0 / (D_EDGE + EMBED_DIM))
    be = jnp.zeros((EMBED_DIM,), dtype=jnp.float32)
    return {
        "node_features": node_features,
        "senders": senders,
        "receivers": receivers,
        "edge_features": edge_features,
        "W": W,
        "b": b,
        "We": We,
        "be": be,
    }


def reference(node_features, senders, receivers, edge_features, W, b, We, be):
    num_nodes = node_features.shape[-2]
    h = node_features @ W + b
    xi, xj = jnp.split(h, 2, axis=-1)
    # gather sender features (SparseCore gather)
    xji = jnp.take_along_axis(xj, senders[..., None], axis=-2)
    # incorporate edge features
    xji = xji + (edge_features @ We + be)
    # in-degree normalization
    in_degree = jax.ops.segment_sum(jnp.ones_like(receivers), receivers, num_nodes)
    deg_per_edge = jnp.take_along_axis(in_degree, receivers, axis=-1)
    xji = xji / (deg_per_edge[..., None].astype(xji.dtype) + 1e-06)
    # scatter-add aggregation (SparseCore segment_sum)
    nodes = xi + jax.ops.segment_sum(xji, receivers, num_nodes)
    return nodes

if __name__ == "__main__":
    import jax
    _d = setup_inputs()
    print(jax.jit(kernel)(*tuple(_d.values())))

</pallas_src>

<mosaic_0001>
#map = affine_map<(d0, d1) -> (0, 0)>
#map1 = affine_map<(d0, d1) -> (0)>
#map2 = affine_map<(d0, d1) -> (0, 0, 0)>
module attributes {stable_mosaic.version = 14 : i64} {
  func.func @sc_kernel(%arg0: i32, %arg1: i32, %arg2: memref<10000x128xf32, #tpu.memory_space<hbm>>, %arg3: memref<320000xi32, #tpu.memory_space<hbm>>, %arg4: memref<320000xi32, #tpu.memory_space<hbm>>, %arg5: memref<320000x16xf32, #tpu.memory_space<hbm>>, %arg6: memref<80x128xf32, #tpu.memory_space<hbm>>, %arg7: memref<80x16xf32, #tpu.memory_space<hbm>>, %arg8: memref<80xf32, #tpu.memory_space<hbm>>, %arg9: memref<80xf32, #tpu.memory_space<hbm>>, %arg10: memref<2x10240x128xf32, #tpu.memory_space<hbm>>, %arg11: memref<2x10240x16xf32, #tpu.memory_space<hbm>>, %arg12: memref<2x10240xf32, #tpu.memory_space<hbm>>, %arg13: memref<10000xi32, #tpu.memory_space<vmem>>, %arg14: memref<80xi32, #tpu.memory_space<vmem>>, %arg15: memref<80xi32, #tpu.memory_space<vmem>>, %arg16: memref<80x128xf32, #tpu.memory_space<vmem>>, %arg17: memref<80x128xf32, #tpu.memory_space<vmem>>, %arg18: memref<80x16xf32, #tpu.memory_space<vmem>>, %arg19: memref<80x16xf32, #tpu.memory_space<vmem>>, %arg20: memref<80xf32, #tpu.memory_space<vmem>>, %arg21: memref<10240x128xf32, #tpu.memory_space<vmem_shared>>, %arg22: memref<10240x16xf32, #tpu.memory_space<vmem_shared>>, %arg23: memref<10240xf32, #tpu.memory_space<vmem_shared>>, %arg24: memref<!tpu.dma_semaphore, #tpu.memory_space<semaphore_mem>>, %arg25: memref<!tpu.dma_semaphore, #tpu.memory_space<semaphore_mem>>, %arg26: memref<!tpu.dma_semaphore, #tpu.memory_space<semaphore_mem>>, %arg27: memref<!tpu.dma_semaphore, #tpu.memory_space<semaphore_mem>>, %arg28: memref<!tpu.dma_semaphore, #tpu.memory_space<semaphore_mem>>, %arg29: memref<!tpu.dma_semaphore, #tpu.memory_space<semaphore_mem>>) attributes {dimension_semantics = [#tpu.dimension_semantics<core_parallel>, #tpu.dimension_semantics<subcore_parallel>], iteration_bounds = array<i64: 2, 16>, scalar_prefetch = 0 : i64, scratch_operands = 17 : i64, tpu.core_type = #tpu.core_type<sc_vector_subcore>, window_params = [{transform_indices = #map}, {transform_indices = #map1}, {transform_indices = #map1}, {transform_indices = #map}, {transform_indices = #map}, {transform_indices = #map}, {transform_indices = #map1}, {transform_indices = #map1}, {transform_indices = #map2}, {transform_indices = #map2}, {transform_indices = #map}]} {
    %mul3A = arith.constant 16 : i32
    %mul3A_0 = arith.muli %arg0, %mul3A : i32
    %add3A = arith.addi %mul3A_0, %arg1 : i32
    %mul3A_1 = arith.constant 640 : i32
    %mul3A_2 = arith.muli %arg1, %mul3A_1 : i32
    "tpu.region"() ({
      %run_scoped3A = tpu.sem_alloc : memref<!tpu.dma_semaphore, #tpu.memory_space<semaphore_mem>>
      tpu.enqueue_dma source(%arg6 : memref<80x128xf32, #tpu.memory_space<hbm>>) target(%arg16 : memref<80x128xf32, #tpu.memory_space<vmem>>) target_semaphore(%run_scoped3A : memref<!tpu.dma_semaphore, #tpu.memory_space<semaphore_mem>>)
      tpu.wait_dma2 semaphore(%run_scoped3A : memref<!tpu.dma_semaphore, #tpu.memory_space<semaphore_mem>>) src(%arg6 : memref<80x128xf32, #tpu.memory_space<hbm>>) dst(%arg16 : memref<80x128xf32, #tpu.memory_space<vmem>>)
      tpu.yield
    }) : () -> ()
    "tpu.region"() ({
      %run_scoped3A = tpu.sem_alloc : memref<!tpu.dma_semaphore, #tpu.memory_space<semaphore_mem>>
      tpu.enqueue_dma source(%arg7 : memref<80x16xf32, #tpu.memory_space<hbm>>) target(%arg18 : memref<80x16xf32, #tpu.memory_space<vmem>>) target_semaphore(%run_scoped3A : memref<!tpu.dma_semaphore, #tpu.memory_space<semaphore_mem>>)
      tpu.wait_dma2 semaphore(%run_scoped3A : memref<!tpu.dma_semaphore, #tpu.memory_space<semaphore_mem>>) src(%arg7 : memref<80x16xf32, #tpu.memory_space<hbm>>) dst(%arg18 : memref<80x16xf32, #tpu.memory_space<vmem>>)
      tpu.yield
    }) : () -> ()
    "tpu.region"() ({
      %run_scoped3A = tpu.sem_alloc : memref<!tpu.dma_semaphore, #tpu.memory_space<semaphore_mem>>
      tpu.enqueue_dma source(%arg8 : memref<80xf32, #tpu.memory_space<hbm>>) target(%arg20 : memref<80xf32, #tpu.memory_space<vmem>>) target_semaphore(%run_scoped3A : memref<!tpu.dma_semaphore, #tpu.memory_space<semaphore_mem>>)
      tpu.wait_dma2 semaphore(%run_scoped3A : memref<!tpu.dma_semaphore, #tpu.memory_space<semaphore_mem>>) src(%arg8 : memref<80xf32, #tpu.memory_space<hbm>>) dst(%arg20 : memref<80xf32, #tpu.memory_space<vmem>>)
      tpu.yield
    }) : () -> ()
    %add3A_3 = arith.constant 0 : i32
    %add3A_4 = arith.addi %mul3A_2, %add3A_3 : i32
    "tpu.region"() ({
      %run_scoped3A = tpu.sem_alloc : memref<!tpu.dma_semaphore, #tpu.memory_space<semaphore_mem>>
      %dma_start3A_93 = arith.constant 0 : i32
      %dma_start3A_94 = tpu.memref_slice %arg21[%add3A_4, %dma_start3A_93] : memref<10240x128xf32, #tpu.memory_space<vmem_shared>> -> memref<80x128xf32, #tpu.memory_space<vmem_shared>>
      %dma_start3A_95 = arith.constant 0 : i32
      %dma_start3A_96 = tpu.memref_slice %arg21[%add3A_4, %dma_start3A_95] : memref<10240x128xf32, #tpu.memory_space<vmem_shared>> -> memref<80x128xf32, #tpu.memory_space<vmem_shared>>
      tpu.enqueue_dma source(%arg16 : memref<80x128xf32, #tpu.memory_space<vmem>>) target(%dma_start3A_96 : memref<80x128xf32, #tpu.memory_space<vmem_shared>>) target_semaphore(%run_scoped3A : memref<!tpu.dma_semaphore, #tpu.memory_space<semaphore_mem>>)
      %dma_wait3A_97 = arith.constant 0 : i32
      %dma_wait3A_98 = tpu.memref_slice %arg21[%add3A_4, %dma_wait3A_97] : memref<10240x128xf32, #tpu.memory_space<vmem_shared>> -> memref<80x128xf32, #tpu.memory_space<vmem_shared>>
      %dma_wait3A_99 = arith.constant 0 : i32
      %dma_wait3A_100 = tpu.memref_slice %arg21[%add3A_4, %dma_wait3A_99] : memref<10240x128xf32, #tpu.memory_space<vmem_shared>> -> memref<80x128xf32, #tpu.memory_space<vmem_shared>>
      tpu.wait_dma2 semaphore(%run_scoped3A : memref<!tpu.dma_semaphore, #tpu.memory_space<semaphore_mem>>) src(%arg16 : memref<80x128xf32, #tpu.memory_space<vmem>>) dst(%dma_wait3A_100 : memref<80x128xf32, #tpu.memory_space<vmem_shared>>)
      tpu.yield
    }) : () -> ()
    %add3A_5 = arith.constant 0 : i32
    %add3A_6 = arith.addi %mul3A_2, %add3A_5 : i32
    "tpu.region"() ({
      %run_scoped3A = tpu.sem_alloc : memref<!tpu.dma_semaphore, #tpu.memory_space<semaphore_mem>>
      %dma_start3A_93 = arith.constant 0 : i32
      %dma_start3A_94 = tpu.memref_slice %arg22[%add3A_6, %dma_start3A_93] : memref<10240x16xf32, #tpu.memory_space<vmem_shared>> -> memref<80x16xf32, #tpu.memory_space<vmem_shared>>
      %dma_start3A_95 = arith.constant 0 : i32
      %dma_start3A_96 = tpu.memref_slice %arg22[%add3A_6, %dma_start3A_95] : memref<10240x16xf32, #tpu.memory_space<vmem_shared>> -> memref<80x16xf32, #tpu.memory_space<vmem_shared>>
      tpu.enqueue_dma source(%arg18 : memref<80x16xf32, #tpu.memory_space<vmem>>) target(%dma_start3A_96 : memref<80x16xf32, #tpu.memory_space<vmem_shared>>) target_semaphore(%run_scoped3A : memref<!tpu.dma_semaphore, #tpu.memory_space<semaphore_mem>>)
      %dma_wait3A_97 = arith.constant 0 : i32
      %dma_wait3A_98 = tpu.memref_slice %arg22[%add3A_6, %dma_wait3A_97] : memref<10240x16xf32, #tpu.memory_space<vmem_shared>> -> memref<80x16xf32, #tpu.memory_space<vmem_shared>>
      %dma_wait3A_99 = arith.constant 0 : i32
      %dma_wait3A_100 = tpu.memref_slice %arg22[%add3A_6, %dma_wait3A_99] : memref<10240x16xf32, #tpu.memory_space<vmem_shared>> -> memref<80x16xf32, #tpu.memory_space<vmem_shared>>
      tpu.wait_dma2 semaphore(%run_scoped3A : memref<!tpu.dma_semaphore, #tpu.memory_space<semaphore_mem>>) src(%arg18 : memref<80x16xf32, #tpu.memory_space<vmem>>) dst(%dma_wait3A_100 : memref<80x16xf32, #tpu.memory_space<vmem_shared>>)
      tpu.yield
    }) : () -> ()
    %add3A_7 = arith.constant 0 : i32
    %add3A_8 = arith.addi %mul3A_2, %add3A_7 : i32
    "tpu.region"() ({
      %run_scoped3A = tpu.sem_alloc : memref<!tpu.dma_semaphore, #tpu.memory_space<semaphore_mem>>
      %dma_start3A_93 = tpu.memref_slice %arg23[%add3A_8] : memref<10240xf32, #tpu.memory_space<vmem_shared>> -> memref<80xf32, #tpu.memory_space<vmem_shared>>
      %dma_start3A_94 = tpu.memref_slice %arg23[%add3A_8] : memref<10240xf32, #tpu.memory_space<vmem_shared>> -> memref<80xf32, #tpu.memory_space<vmem_shared>>
      tpu.enqueue_dma source(%arg20 : memref<80xf32, #tpu.memory_space<vmem>>) target(%dma_start3A_94 : memref<80xf32, #tpu.memory_space<vmem_shared>>) target_semaphore(%run_scoped3A : memref<!tpu.dma_semaphore, #tpu.memory_space<semaphore_mem>>)
      %dma_wait3A_95 = tpu.memref_slice %arg23[%add3A_8] : memref<10240xf32, #tpu.memory_space<vmem_shared>> -> memref<80xf32, #tpu.memory_space<vmem_shared>>
      %dma_wait3A_96 = tpu.memref_slice %arg23[%add3A_8] : memref<10240xf32, #tpu.memory_space<vmem_shared>> -> memref<80xf32, #tpu.memory_space<vmem_shared>>
      tpu.wait_dma2 semaphore(%run_scoped3A : memref<!tpu.dma_semaphore, #tpu.memory_space<semaphore_mem>>) src(%arg20 : memref<80xf32, #tpu.memory_space<vmem>>) dst(%dma_wait3A_96 : memref<80xf32, #tpu.memory_space<vmem_shared>>)
      tpu.yield
    }) : () -> ()
    %add3A_9 = arith.constant 80 : i32
    %add3A_10 = arith.addi %mul3A_2, %add3A_9 : i32
    "tpu.region"() ({
      %run_scoped3A = tpu.sem_alloc : memref<!tpu.dma_semaphore, #tpu.memory_space<semaphore_mem>>
      %dma_start3A_93 = arith.constant 0 : i32
      %dma_start3A_94 = tpu.memref_slice %arg21[%add3A_10, %dma_start3A_93] : memref<10240x128xf32, #tpu.memory_space<vmem_shared>> -> memref<80x128xf32, #tpu.memory_space<vmem_shared>>
      %dma_start3A_95 = arith.constant 0 : i32
      %dma_start3A_96 = tpu.memref_slice %arg21[%add3A_10, %dma_start3A_95] : memref<10240x128xf32, #tpu.memory_space<vmem_shared>> -> memref<80x128xf32, #tpu.memory_space<vmem_shared>>
      tpu.enqueue_dma source(%arg16 : memref<80x128xf32, #tpu.memory_space<vmem>>) target(%dma_start3A_96 : memref<80x128xf32, #tpu.memory_space<vmem_shared>>) target_semaphore(%run_scoped3A : memref<!tpu.dma_semaphore, #tpu.memory_space<semaphore_mem>>)
      %dma_wait3A_97 = arith.constant 0 : i32
      %dma_wait3A_98 = tpu.memref_slice %arg21[%add3A_10, %dma_wait3A_97] : memref<10240x128xf32, #tpu.memory_space<vmem_shared>> -> memref<80x128xf32, #tpu.memory_space<vmem_shared>>
      %dma_wait3A_99 = arith.constant 0 : i32
      %dma_wait3A_100 = tpu.memref_slice %arg21[%add3A_10, %dma_wait3A_99] : memref<10240x128xf32, #tpu.memory_space<vmem_shared>> -> memref<80x128xf32, #tpu.memory_space<vmem_shared>>
      tpu.wait_dma2 semaphore(%run_scoped3A : memref<!tpu.dma_semaphore, #tpu.memory_space<semaphore_mem>>) src(%arg16 : memref<80x128xf32, #tpu.memory_space<vmem>>) dst(%dma_wait3A_100 : memref<80x128xf32, #tpu.memory_space<vmem_shared>>)
      tpu.yield
    }) : () -> ()
    %add3A_11 = arith.constant 80 : i32
    %add3A_12 = arith.addi %mul3A_2, %add3A_11 : i32
    "tpu.region"() ({
      %run_scoped3A = tpu.sem_alloc : memref<!tpu.dma_semaphore, #tpu.memory_space<semaphore_mem>>
      %dma_start3A_93 = arith.constant 0 : i32
      %dma_start3A_94 = tpu.memref_slice %arg22[%add3A_12, %dma_start3A_93] : memref<10240x16xf32, #tpu.memory_space<vmem_shared>> -> memref<80x16xf32, #tpu.memory_space<vmem_shared>>
      %dma_start3A_95 = arith.constant 0 : i32
      %dma_start3A_96 = tpu.memref_slice %arg22[%add3A_12, %dma_start3A_95] : memref<10240x16xf32, #tpu.memory_space<vmem_shared>> -> memref<80x16xf32, #tpu.memory_space<vmem_shared>>
      tpu.enqueue_dma source(%arg18 : memref<80x16xf32, #tpu.memory_space<vmem>>) target(%dma_start3A_96 : memref<80x16xf32, #tpu.memory_space<vmem_shared>>) target_semaphore(%run_scoped3A : memref<!tpu.dma_semaphore, #tpu.memory_space<semaphore_mem>>)
      %dma_wait3A_97 = arith.constant 0 : i32
      %dma_wait3A_98 = tpu.memref_slice %arg22[%add3A_12, %dma_wait3A_97] : memref<10240x16xf32, #tpu.memory_space<vmem_shared>> -> memref<80x16xf32, #tpu.memory_space<vmem_shared>>
      %dma_wait3A_99 = arith.constant 0 : i32
      %dma_wait3A_100 = tpu.memref_slice %arg22[%add3A_12, %dma_wait3A_99] : memref<10240x16xf32, #tpu.memory_space<vmem_shared>> -> memref<80x16xf32, #tpu.memory_space<vmem_shared>>
      tpu.wait_dma2 semaphore(%run_scoped3A : memref<!tpu.dma_semaphore, #tpu.memory_space<semaphore_mem>>) src(%arg18 : memref<80x16xf32, #tpu.memory_space<vmem>>) dst(%dma_wait3A_100 : memref<80x16xf32, #tpu.memory_space<vmem_shared>>)
      tpu.yield
    }) : () -> ()
    %add3A_13 = arith.constant 80 : i32
    %add3A_14 = arith.addi %mul3A_2, %add3A_13 : i32
    "tpu.region"() ({
      %run_scoped3A = tpu.sem_alloc : memref<!tpu.dma_semaphore, #tpu.memory_space<semaphore_mem>>
      %dma_start3A_93 = tpu.memref_slice %arg23[%add3A_14] : memref<10240xf32, #tpu.memory_space<vmem_shared>> -> memref<80xf32, #tpu.memory_space<vmem_shared>>
      %dma_start3A_94 = tpu.memref_slice %arg23[%add3A_14] : memref<10240xf32, #tpu.memory_space<vmem_shared>> -> memref<80xf32, #tpu.memory_space<vmem_shared>>
      tpu.enqueue_dma source(%arg20 : memref<80xf32, #tpu.memory_space<vmem>>) target(%dma_start3A_94 : memref<80xf32, #tpu.memory_space<vmem_shared>>) target_semaphore(%run_scoped3A : memref<!tpu.dma_semaphore, #tpu.memory_space<semaphore_mem>>)
      %dma_wait3A_95 = tpu.memref_slice %arg23[%add3A_14] : memref<10240xf32, #tpu.memory_space<vmem_shared>> -> memref<80xf32, #tpu.memory_space<vmem_shared>>
      %dma_wait3A_96 = tpu.memref_slice %arg23[%add3A_14] : memref<10240xf32, #tpu.memory_space<vmem_shared>> -> memref<80xf32, #tpu.memory_space<vmem_shared>>
      tpu.wait_dma2 semaphore(%run_scoped3A : memref<!tpu.dma_semaphore, #tpu.memory_space<semaphore_mem>>) src(%arg20 : memref<80xf32, #tpu.memory_space<vmem>>) dst(%dma_wait3A_96 : memref<80xf32, #tpu.memory_space<vmem_shared>>)
      tpu.yield
    }) : () -> ()
    %add3A_15 = arith.constant 160 : i32
    %add3A_16 = arith.addi %mul3A_2, %add3A_15 : i32
    "tpu.region"() ({
      %run_scoped3A = tpu.sem_alloc : memref<!tpu.dma_semaphore, #tpu.memory_space<semaphore_mem>>
      %dma_start3A_93 = arith.constant 0 : i32
      %dma_start3A_94 = tpu.memref_slice %arg21[%add3A_16, %dma_start3A_93] : memref<10240x128xf32, #tpu.memory_space<vmem_shared>> -> memref<80x128xf32, #tpu.memory_space<vmem_shared>>
      %dma_start3A_95 = arith.constant 0 : i32
      %dma_start3A_96 = tpu.memref_slice %arg21[%add3A_16, %dma_start3A_95] : memref<10240x128xf32, #tpu.memory_space<vmem_shared>> -> memref<80x128xf32, #tpu.memory_space<vmem_shared>>
      tpu.enqueue_dma source(%arg16 : memref<80x128xf32, #tpu.memory_space<vmem>>) target(%dma_start3A_96 : memref<80x128xf32, #tpu.memory_space<vmem_shared>>) target_semaphore(%run_scoped3A : memref<!tpu.dma_semaphore, #tpu.memory_space<semaphore_mem>>)
      %dma_wait3A_97 = arith.constant 0 : i32
      %dma_wait3A_98 = tpu.memref_slice %arg21[%add3A_16, %dma_wait3A_97] : memref<10240x128xf32, #tpu.memory_space<vmem_shared>> -> memref<80x128xf32, #tpu.memory_space<vmem_shared>>
      %dma_wait3A_99 = arith.constant 0 : i32
      %dma_wait3A_100 = tpu.memref_slice %arg21[%add3A_16, %dma_wait3A_99] : memref<10240x128xf32, #tpu.memory_space<vmem_shared>> -> memref<80x128xf32, #tpu.memory_space<vmem_shared>>
      tpu.wait_dma2 semaphore(%run_scoped3A : memref<!tpu.dma_semaphore, #tpu.memory_space<semaphore_mem>>) src(%arg16 : memref<80x128xf32, #tpu.memory_space<vmem>>) dst(%dma_wait3A_100 : memref<80x128xf32, #tpu.memory_space<vmem_shared>>)
      tpu.yield
    }) : () -> ()
    %add3A_17 = arith.constant 160 : i32
    %add3A_18 = arith.addi %mul3A_2, %add3A_17 : i32
    "tpu.region"() ({
      %run_scoped3A = tpu.sem_alloc : memref<!tpu.dma_semaphore, #tpu.memory_space<semaphore_mem>>
      %dma_start3A_93 = arith.constant 0 : i32
      %dma_start3A_94 = tpu.memref_slice %arg22[%add3A_18, %dma_start3A_93] : memref<10240x16xf32, #tpu.memory_space<vmem_shared>> -> memref<80x16xf32, #tpu.memory_space<vmem_shared>>
      %dma_start3A_95 = arith.constant 0 : i32
      %dma_start3A_96 = tpu.memref_slice %arg22[%add3A_18, %dma_start3A_95] : memref<10240x16xf32, #tpu.memory_space<vmem_shared>> -> memref<80x16xf32, #tpu.memory_space<vmem_shared>>
      tpu.enqueue_dma source(%arg18 : memref<80x16xf32, #tpu.memory_space<vmem>>) target(%dma_start3A_96 : memref<80x16xf32, #tpu.memory_space<vmem_shared>>) target_semaphore(%run_scoped3A : memref<!tpu.dma_semaphore, #tpu.memory_space<semaphore_mem>>)
      %dma_wait3A_97 = arith.constant 0 : i32
      %dma_wait3A_98 = tpu.memref_slice %arg22[%add3A_18, %dma_wait3A_97] : memref<10240x16xf32, #tpu.memory_space<vmem_shared>> -> memref<80x16xf32, #tpu.memory_space<vmem_shared>>
      %dma_wait3A_99 = arith.constant 0 : i32
      %dma_wait3A_100 = tpu.memref_slice %arg22[%add3A_18, %dma_wait3A_99] : memref<10240x16xf32, #tpu.memory_space<vmem_shared>> -> memref<80x16xf32, #tpu.memory_space<vmem_shared>>
      tpu.wait_dma2 semaphore(%run_scoped3A : memref<!tpu.dma_semaphore, #tpu.memory_space<semaphore_mem>>) src(%arg18 : memref<80x16xf32, #tpu.memory_space<vmem>>) dst(%dma_wait3A_100 : memref<80x16xf32, #tpu.memory_space<vmem_shared>>)
      tpu.yield
    }) : () -> ()
    %add3A_19 = arith.constant 160 : i32
    %add3A_20 = arith.addi %mul3A_2, %add3A_19 : i32
    "tpu.region"() ({
      %run_scoped3A = tpu.sem_alloc : memref<!tpu.dma_semaphore, #tpu.memory_space<semaphore_mem>>
      %dma_start3A_93 = tpu.memref_slice %arg23[%add3A_20] : memref<10240xf32, #tpu.memory_space<vmem_shared>> -> memref<80xf32, #tpu.memory_space<vmem_shared>>
      %dma_start3A_94 = tpu.memref_slice %arg23[%add3A_20] : memref<10240xf32, #tpu.memory_space<vmem_shared>> -> memref<80xf32, #tpu.memory_space<vmem_shared>>
      tpu.enqueue_dma source(%arg20 : memref<80xf32, #tpu.memory_space<vmem>>) target(%dma_start3A_94 : memref<80xf32, #tpu.memory_space<vmem_shared>>) target_semaphore(%run_scoped3A : memref<!tpu.dma_semaphore, #tpu.memory_space<semaphore_mem>>)
      %dma_wait3A_95 = tpu.memref_slice %arg23[%add3A_20] : memref<10240xf32, #tpu.memory_space<vmem_shared>> -> memref<80xf32, #tpu.memory_space<vmem_shared>>
      %dma_wait3A_96 = tpu.memref_slice %arg23[%add3A_20] : memref<10240xf32, #tpu.memory_space<vmem_shared>> -> memref<80xf32, #tpu.memory_space<vmem_shared>>
      tpu.wait_dma2 semaphore(%run_scoped3A : memref<!tpu.dma_semaphore, #tpu.memory_space<semaphore_mem>>) src(%arg20 : memref<80xf32, #tpu.memory_space<vmem>>) dst(%dma_wait3A_96 : memref<80xf32, #tpu.memory_space<vmem_shared>>)
      tpu.yield
    }) : () -> ()
    %add3A_21 = arith.constant 240 : i32
    %add3A_22 = arith.addi %mul3A_2, %add3A_21 : i32
    "tpu.region"() ({
      %run_scoped3A = tpu.sem_alloc : memref<!tpu.dma_semaphore, #tpu.memory_space<semaphore_mem>>
      %dma_start3A_93 = arith.constant 0 : i32
      %dma_start3A_94 = tpu.memref_slice %arg21[%add3A_22, %dma_start3A_93] : memref<10240x128xf32, #tpu.memory_space<vmem_shared>> -> memref<80x128xf32, #tpu.memory_space<vmem_shared>>
      %dma_start3A_95 = arith.constant 0 : i32
      %dma_start3A_96 = tpu.memref_slice %arg21[%add3A_22, %dma_start3A_95] : memref<10240x128xf32, #tpu.memory_space<vmem_shared>> -> memref<80x128xf32, #tpu.memory_space<vmem_shared>>
      tpu.enqueue_dma source(%arg16 : memref<80x128xf32, #tpu.memory_space<vmem>>) target(%dma_start3A_96 : memref<80x128xf32, #tpu.memory_space<vmem_shared>>) target_semaphore(%run_scoped3A : memref<!tpu.dma_semaphore, #tpu.memory_space<semaphore_mem>>)
      %dma_wait3A_97 = arith.constant 0 : i32
      %dma_wait3A_98 = tpu.memref_slice %arg21[%add3A_22, %dma_wait3A_97] : memref<10240x128xf32, #tpu.memory_space<vmem_shared>> -> memref<80x128xf32, #tpu.memory_space<vmem_shared>>
      %dma_wait3A_99 = arith.constant 0 : i32
      %dma_wait3A_100 = tpu.memref_slice %arg21[%add3A_22, %dma_wait3A_99] : memref<10240x128xf32, #tpu.memory_space<vmem_shared>> -> memref<80x128xf32, #tpu.memory_space<vmem_shared>>
      tpu.wait_dma2 semaphore(%run_scoped3A : memref<!tpu.dma_semaphore, #tpu.memory_space<semaphore_mem>>) src(%arg16 : memref<80x128xf32, #tpu.memory_space<vmem>>) dst(%dma_wait3A_100 : memref<80x128xf32, #tpu.memory_space<vmem_shared>>)
      tpu.yield
    }) : () -> ()
    %add3A_23 = arith.constant 240 : i32
    %add3A_24 = arith.addi %mul3A_2, %add3A_23 : i32
    "tpu.region"() ({
      %run_scoped3A = tpu.sem_alloc : memref<!tpu.dma_semaphore, #tpu.memory_space<semaphore_mem>>
      %dma_start3A_93 = arith.constant 0 : i32
      %dma_start3A_94 = tpu.memref_slice %arg22[%add3A_24, %dma_start3A_93] : memref<10240x16xf32, #tpu.memory_space<vmem_shared>> -> memref<80x16xf32, #tpu.memory_space<vmem_shared>>
      %dma_start3A_95 = arith.constant 0 : i32
      %dma_start3A_96 = tpu.memref_slice %arg22[%add3A_24, %dma_start3A_95] : memref<10240x16xf32, #tpu.memory_space<vmem_shared>> -> memref<80x16xf32, #tpu.memory_space<vmem_shared>>
      tpu.enqueue_dma source(%arg18 : memref<80x16xf32, #tpu.memory_space<vmem>>) target(%dma_start3A_96 : memref<80x16xf32, #tpu.memory_space<vmem_shared>>) target_semaphore(%run_scoped3A : memref<!tpu.dma_semaphore, #tpu.memory_space<semaphore_mem>>)
      %dma_wait3A_97 = arith.constant 0 : i32
      %dma_wait3A_98 = tpu.memref_slice %arg22[%add3A_24, %dma_wait3A_97] : memref<10240x16xf32, #tpu.memory_space<vmem_shared>> -> memref<80x16xf32, #tpu.memory_space<vmem_shared>>
      %dma_wait3A_99 = arith.constant 0 : i32
      %dma_wait3A_100 = tpu.memref_slice %arg22[%add3A_24, %dma_wait3A_99] : memref<10240x16xf32, #tpu.memory_space<vmem_shared>> -> memref<80x16xf32, #tpu.memory_space<vmem_shared>>
      tpu.wait_dma2 semaphore(%run_scoped3A : memref<!tpu.dma_semaphore, #tpu.memory_space<semaphore_mem>>) src(%arg18 : memref<80x16xf32, #tpu.memory_space<vmem>>) dst(%dma_wait3A_100 : memref<80x16xf32, #tpu.memory_space<vmem_shared>>)
      tpu.yield
    }) : () -> ()
    %add3A_25 = arith.constant 240 : i32
    %add3A_26 = arith.addi %mul3A_2, %add3A_25 : i32
    "tpu.region"() ({
      %run_scoped3A = tpu.sem_alloc : memref<!tpu.dma_semaphore, #tpu.memory_space<semaphore_mem>>
      %dma_start3A_93 = tpu.memref_slice %arg23[%add3A_26] : memref<10240xf32, #tpu.memory_space<vmem_shared>> -> memref<80xf32, #tpu.memory_space<vmem_shared>>
      %dma_start3A_94 = tpu.memref_slice %arg23[%add3A_26] : memref<10240xf32, #tpu.memory_space<vmem_shared>> -> memref<80xf32, #tpu.memory_space<vmem_shared>>
      tpu.enqueue_dma source(%arg20 : memref<80xf32, #tpu.memory_space<vmem>>) target(%dma_start3A_94 : memref<80xf32, #tpu.memory_space<vmem_shared>>) target_semaphore(%run_scoped3A : memref<!tpu.dma_semaphore, #tpu.memory_space<semaphore_mem>>)
      %dma_wait3A_95 = tpu.memref_slice %arg23[%add3A_26] : memref<10240xf32, #tpu.memory_space<vmem_shared>> -> memref<80xf32, #tpu.memory_space<vmem_shared>>
      %dma_wait3A_96 = tpu.memref_slice %arg23[%add3A_26] : memref<10240xf32, #tpu.memory_space<vmem_shared>> -> memref<80xf32, #tpu.memory_space<vmem_shared>>
      tpu.wait_dma2 semaphore(%run_scoped3A : memref<!tpu.dma_semaphore, #tpu.memory_space<semaphore_mem>>) src(%arg20 : memref<80xf32, #tpu.memory_space<vmem>>) dst(%dma_wait3A_96 : memref<80xf32, #tpu.memory_space<vmem_shared>>)
      tpu.yield
    }) : () -> ()
    %add3A_27 = arith.constant 320 : i32
    %add3A_28 = arith.addi %mul3A_2, %add3A_27 : i32
    "tpu.region"() ({
      %run_scoped3A = tpu.sem_alloc : memref<!tpu.dma_semaphore, #tpu.memory_space<semaphore_mem>>
      %dma_start3A_93 = arith.constant 0 : i32
      %dma_start3A_94 = tpu.memref_slice %arg21[%add3A_28, %dma_start3A_93] : memref<10240x128xf32, #tpu.memory_space<vmem_shared>> -> memref<80x128xf32, #tpu.memory_space<vmem_shared>>
      %dma_start3A_95 = arith.constant 0 : i32
      %dma_start3A_96 = tpu.memref_slice %arg21[%add3A_28, %dma_start3A_95] : memref<10240x128xf32, #tpu.memory_space<vmem_shared>> -> memref<80x128xf32, #tpu.memory_space<vmem_shared>>
      tpu.enqueue_dma source(%arg16 : memref<80x128xf32, #tpu.memory_space<vmem>>) target(%dma_start3A_96 : memref<80x128xf32, #tpu.memory_space<vmem_shared>>) target_semaphore(%run_scoped3A : memref<!tpu.dma_semaphore, #tpu.memory_space<semaphore_mem>>)
      %dma_wait3A_97 = arith.constant 0 : i32
      %dma_wait3A_98 = tpu.memref_slice %arg21[%add3A_28, %dma_wait3A_97] : memref<10240x128xf32, #tpu.memory_space<vmem_shared>> -> memref<80x128xf32, #tpu.memory_space<vmem_shared>>
      %dma_wait3A_99 = arith.constant 0 : i32
      %dma_wait3A_100 = tpu.memref_slice %arg21[%add3A_28, %dma_wait3A_99] : memref<10240x128xf32, #tpu.memory_space<vmem_shared>> -> memref<80x128xf32, #tpu.memory_space<vmem_shared>>
      tpu.wait_dma2 semaphore(%run_scoped3A : memref<!tpu.dma_semaphore, #tpu.memory_space<semaphore_mem>>) src(%arg16 : memref<80x128xf32, #tpu.memory_space<vmem>>) dst(%dma_wait3A_100 : memref<80x128xf32, #tpu.memory_space<vmem_shared>>)
      tpu.yield
    }) : () -> ()
    %add3A_29 = arith.constant 320 : i32
    %add3A_30 = arith.addi %mul3A_2, %add3A_29 : i32
    "tpu.region"() ({
      %run_scoped3A = tpu.sem_alloc : memref<!tpu.dma_semaphore, #tpu.memory_space<semaphore_mem>>
      %dma_start3A_93 = arith.constant 0 : i32
      %dma_start3A_94 = tpu.memref_slice %arg22[%add3A_30, %dma_start3A_93] : memref<10240x16xf32, #tpu.memory_space<vmem_shared>> -> memref<80x16xf32, #tpu.memory_space<vmem_shared>>
      %dma_start3A_95 = arith.constant 0 : i32
      %dma_start3A_96 = tpu.memref_slice %arg22[%add3A_30, %dma_start3A_95] : memref<10240x16xf32, #tpu.memory_space<vmem_shared>> -> memref<80x16xf32, #tpu.memory_space<vmem_shared>>
      tpu.enqueue_dma source(%arg18 : memref<80x16xf32, #tpu.memory_space<vmem>>) target(%dma_start3A_96 : memref<80x16xf32, #tpu.memory_space<vmem_shared>>) target_semaphore(%run_scoped3A : memref<!tpu.dma_semaphore, #tpu.memory_space<semaphore_mem>>)
      %dma_wait3A_97 = arith.constant 0 : i32
      %dma_wait3A_98 = tpu.memref_slice %arg22[%add3A_30, %dma_wait3A_97] : memref<10240x16xf32, #tpu.memory_space<vmem_shared>> -> memref<80x16xf32, #tpu.memory_space<vmem_shared>>
      %dma_wait3A_99 = arith.constant 0 : i32
      %dma_wait3A_100 = tpu.memref_slice %arg22[%add3A_30, %dma_wait3A_99] : memref<10240x16xf32, #tpu.memory_space<vmem_shared>> -> memref<80x16xf32, #tpu.memory_space<vmem_shared>>
      tpu.wait_dma2 semaphore(%run_scoped3A : memref<!tpu.dma_semaphore, #tpu.memory_space<semaphore_mem>>) src(%arg18 : memref<80x16xf32, #tpu.memory_space<vmem>>) dst(%dma_wait3A_100 : memref<80x16xf32, #tpu.memory_space<vmem_shared>>)
      tpu.yield
    }) : () -> ()
    %add3A_31 = arith.constant 320 : i32
    %add3A_32 = arith.addi %mul3A_2, %add3A_31 : i32
    "tpu.region"() ({
      %run_scoped3A = tpu.sem_alloc : memref<!tpu.dma_semaphore, #tpu.memory_space<semaphore_mem>>
      %dma_start3A_93 = tpu.memref_slice %arg23[%add3A_32] : memref<10240xf32, #tpu.memory_space<vmem_shared>> -> memref<80xf32, #tpu.memory_space<vmem_shared>>
      %dma_start3A_94 = tpu.memref_slice %arg23[%add3A_32] : memref<10240xf32, #tpu.memory_space<vmem_shared>> -> memref<80xf32, #tpu.memory_space<vmem_shared>>
      tpu.enqueue_dma source(%arg20 : memref<80xf32, #tpu.memory_space<vmem>>) target(%dma_start3A_94 : memref<80xf32, #tpu.memory_space<vmem_shared>>) target_semaphore(%run_scoped3A : memref<!tpu.dma_semaphore, #tpu.memory_space<semaphore_mem>>)
      %dma_wait3A_95 = tpu.memref_slice %arg23[%add3A_32] : memref<10240xf32, #tpu.memory_space<vmem_shared>> -> memref<80xf32, #tpu.memory_space<vmem_shared>>
      %dma_wait3A_96 = tpu.memref_slice %arg23[%add3A_32] : memref<10240xf32, #tpu.memory_space<vmem_shared>> -> memref<80xf32, #tpu.memory_space<vmem_shared>>
      tpu.wait_dma2 semaphore(%run_scoped3A : memref<!tpu.dma_semaphore, #tpu.memory_space<semaphore_mem>>) src(%arg20 : memref<80xf32, #tpu.memory_space<vmem>>) dst(%dma_wait3A_96 : memref<80xf32, #tpu.memory_space<vmem_shared>>)
      tpu.yield
    }) : () -> ()
    %add3A_33 = arith.constant 400 : i32
    %add3A_34 = arith.addi %mul3A_2, %add3A_33 : i32
    "tpu.region"() ({
      %run_scoped3A = tpu.sem_alloc : memref<!tpu.dma_semaphore, #tpu.memory_space<semaphore_mem>>
      %dma_start3A_93 = arith.constant 0 : i32
      %dma_start3A_94 = tpu.memref_slice %arg21[%add3A_34, %dma_start3A_93] : memref<10240x128xf32, #tpu.memory_space<vmem_shared>> -> memref<80x128xf32, #tpu.memory_space<vmem_shared>>
      %dma_start3A_95 = arith.constant 0 : i32
      %dma_start3A_96 = tpu.memref_slice %arg21[%add3A_34, %dma_start3A_95] : memref<10240x128xf32, #tpu.memory_space<vmem_shared>> -> memref<80x128xf32, #tpu.memory_space<vmem_shared>>
      tpu.enqueue_dma source(%arg16 : memref<80x128xf32, #tpu.memory_space<vmem>>) target(%dma_start3A_96 : memref<80x128xf32, #tpu.memory_space<vmem_shared>>) target_semaphore(%run_scoped3A : memref<!tpu.dma_semaphore, #tpu.memory_space<semaphore_mem>>)
      %dma_wait3A_97 = arith.constant 0 : i32
      %dma_wait3A_98 = tpu.memref_slice %arg21[%add3A_34, %dma_wait3A_97] : memref<10240x128xf32, #tpu.memory_space<vmem_shared>> -> memref<80x128xf32, #tpu.memory_space<vmem_shared>>
      %dma_wait3A_99 = arith.constant 0 : i32
      %dma_wait3A_100 = tpu.memref_slice %arg21[%add3A_34, %dma_wait3A_99] : memref<10240x128xf32, #tpu.memory_space<vmem_shared>> -> memref<80x128xf32, #tpu.memory_space<vmem_shared>>
      tpu.wait_dma2 semaphore(%run_scoped3A : memref<!tpu.dma_semaphore, #tpu.memory_space<semaphore_mem>>) src(%arg16 : memref<80x128xf32, #tpu.memory_space<vmem>>) dst(%dma_wait3A_100 : memref<80x128xf32, #tpu.memory_space<vmem_shared>>)
      tpu.yield
    }) : () -> ()
    %add3A_35 = arith.constant 400 : i32
    %add3A_36 = arith.addi %mul3A_2, %add3A_35 : i32
    "tpu.region"() ({
      %run_scoped3A = tpu.sem_alloc : memref<!tpu.dma_semaphore, #tpu.memory_space<semaphore_mem>>
      %dma_start3A_93 = arith.constant 0 : i32
      %dma_start3A_94 = tpu.memref_slice %arg22[%add3A_36, %dma_start3A_93] : memref<10240x16xf32, #tpu.memory_space<vmem_shared>> -> memref<80x16xf32, #tpu.memory_space<vmem_shared>>
      %dma_start3A_95 = arith.constant 0 : i32
      %dma_start3A_96 = tpu.memref_slice %arg22[%add3A_36, %dma_start3A_95] : memref<10240x16xf32, #tpu.memory_space<vmem_shared>> -> memref<80x16xf32, #tpu.memory_space<vmem_shared>>
      tpu.enqueue_dma source(%arg18 : memref<80x16xf32, #tpu.memory_space<vmem>>) target(%dma_start3A_96 : memref<80x16xf32, #tpu.memory_space<vmem_shared>>) target_semaphore(%run_scoped3A : memref<!tpu.dma_semaphore, #tpu.memory_space<semaphore_mem>>)
      %dma_wait3A_97 = arith.constant 0 : i32
      %dma_wait3A_98 = tpu.memref_slice %arg22[%add3A_36, %dma_wait3A_97] : memref<10240x16xf32, #tpu.memory_space<vmem_shared>> -> memref<80x16xf32, #tpu.memory_space<vmem_shared>>
      %dma_wait3A_99 = arith.constant 0 : i32
      %dma_wait3A_100 = tpu.memref_slice %arg22[%add3A_36, %dma_wait3A_99] : memref<10240x16xf32, #tpu.memory_space<vmem_shared>> -> memref<80x16xf32, #tpu.memory_space<vmem_shared>>
      tpu.wait_dma2 semaphore(%run_scoped3A : memref<!tpu.dma_semaphore, #tpu.memory_space<semaphore_mem>>) src(%arg18 : memref<80x16xf32, #tpu.memory_space<vmem>>) dst(%dma_wait3A_100 : memref<80x16xf32, #tpu.memory_space<vmem_shared>>)
      tpu.yield
    }) : () -> ()
    %add3A_37 = arith.constant 400 : i32
    %add3A_38 = arith.addi %mul3A_2, %add3A_37 : i32
    "tpu.region"() ({
      %run_scoped3A = tpu.sem_alloc : memref<!tpu.dma_semaphore, #tpu.memory_space<semaphore_mem>>
      %dma_start3A_93 = tpu.memref_slice %arg23[%add3A_38] : memref<10240xf32, #tpu.memory_space<vmem_shared>> -> memref<80xf32, #tpu.memory_space<vmem_shared>>
      %dma_start3A_94 = tpu.memref_slice %arg23[%add3A_38] : memref<10240xf32, #tpu.memory_space<vmem_shared>> -> memref<80xf32, #tpu.memory_space<vmem_shared>>
      tpu.enqueue_dma source(%arg20 : memref<80xf32, #tpu.memory_space<vmem>>) target(%dma_start3A_94 : memref<80xf32, #tpu.memory_space<vmem_shared>>) target_semaphore(%run_scoped3A : memref<!tpu.dma_semaphore, #tpu.memory_space<semaphore_mem>>)
      %dma_wait3A_95 = tpu.memref_slice %arg23[%add3A_38] : memref<10240xf32, #tpu.memory_space<vmem_shared>> -> memref<80xf32, #tpu.memory_space<vmem_shared>>
      %dma_wait3A_96 = tpu.memref_slice %arg23[%add3A_38] : memref<10240xf32, #tpu.memory_space<vmem_shared>> -> memref<80xf32, #tpu.memory_space<vmem_shared>>
      tpu.wait_dma2 semaphore(%run_scoped3A : memref<!tpu.dma_semaphore, #tpu.memory_space<semaphore_mem>>) src(%arg20 : memref<80xf32, #tpu.memory_space<vmem>>) dst(%dma_wait3A_96 : memref<80xf32, #tpu.memory_space<vmem_shared>>)
      tpu.yield
    }) : () -> ()
    %add3A_39 = arith.constant 480 : i32
    %add3A_40 = arith.addi %mul3A_2, %add3A_39 : i32
    "tpu.region"() ({
      %run_scoped3A = tpu.sem_alloc : memref<!tpu.dma_semaphore, #tpu.memory_space<semaphore_mem>>
      %dma_start3A_93 = arith.constant 0 : i32
      %dma_start3A_94 = tpu.memref_slice %arg21[%add3A_40, %dma_start3A_93] : memref<10240x128xf32, #tpu.memory_space<vmem_shared>> -> memref<80x128xf32, #tpu.memory_space<vmem_shared>>
      %dma_start3A_95 = arith.constant 0 : i32
      %dma_start3A_96 = tpu.memref_slice %arg21[%add3A_40, %dma_start3A_95] : memref<10240x128xf32, #tpu.memory_space<vmem_shared>> -> memref<80x128xf32, #tpu.memory_space<vmem_shared>>
      tpu.enqueue_dma source(%arg16 : memref<80x128xf32, #tpu.memory_space<vmem>>) target(%dma_start3A_96 : memref<80x128xf32, #tpu.memory_space<vmem_shared>>) target_semaphore(%run_scoped3A : memref<!tpu.dma_semaphore, #tpu.memory_space<semaphore_mem>>)
      %dma_wait3A_97 = arith.constant 0 : i32
      %dma_wait3A_98 = tpu.memref_slice %arg21[%add3A_40, %dma_wait3A_97] : memref<10240x128xf32, #tpu.memory_space<vmem_shared>> -> memref<80x128xf32, #tpu.memory_space<vmem_shared>>
      %dma_wait3A_99 = arith.constant 0 : i32
      %dma_wait3A_100 = tpu.memref_slice %arg21[%add3A_40, %dma_wait3A_99] : memref<10240x128xf32, #tpu.memory_space<vmem_shared>> -> memref<80x128xf32, #tpu.memory_space<vmem_shared>>
      tpu.wait_dma2 semaphore(%run_scoped3A : memref<!tpu.dma_semaphore, #tpu.memory_space<semaphore_mem>>) src(%arg16 : memref<80x128xf32, #tpu.memory_space<vmem>>) dst(%dma_wait3A_100 : memref<80x128xf32, #tpu.memory_space<vmem_shared>>)
      tpu.yield
    }) : () -> ()
    %add3A_41 = arith.constant 480 : i32
    %add3A_42 = arith.addi %mul3A_2, %add3A_41 : i32
    "tpu.region"() ({
      %run_scoped3A = tpu.sem_alloc : memref<!tpu.dma_semaphore, #tpu.memory_space<semaphore_mem>>
      %dma_start3A_93 = arith.constant 0 : i32
      %dma_start3A_94 = tpu.memref_slice %arg22[%add3A_42, %dma_start3A_93] : memref<10240x16xf32, #tpu.memory_space<vmem_shared>> -> memref<80x16xf32, #tpu.memory_space<vmem_shared>>
      %dma_start3A_95 = arith.constant 0 : i32
      %dma_start3A_96 = tpu.memref_slice %arg22[%add3A_42, %dma_start3A_95] : memref<10240x16xf32, #tpu.memory_space<vmem_shared>> -> memref<80x16xf32, #tpu.memory_space<vmem_shared>>
      tpu.enqueue_dma source(%arg18 : memref<80x16xf32, #tpu.memory_space<vmem>>) target(%dma_start3A_96 : memref<80x16xf32, #tpu.memory_space<vmem_shared>>) target_semaphore(%run_scoped3A : memref<!tpu.dma_semaphore, #tpu.memory_space<semaphore_mem>>)
      %dma_wait3A_97 = arith.constant 0 : i32
      %dma_wait3A_98 = tpu.memref_slice %arg22[%add3A_42, %dma_wait3A_97] : memref<10240x16xf32, #tpu.memory_space<vmem_shared>> -> memref<80x16xf32, #tpu.memory_space<vmem_shared>>
      %dma_wait3A_99 = arith.constant 0 : i32
      %dma_wait3A_100 = tpu.memref_slice %arg22[%add3A_42, %dma_wait3A_99] : memref<10240x16xf32, #tpu.memory_space<vmem_shared>> -> memref<80x16xf32, #tpu.memory_space<vmem_shared>>
      tpu.wait_dma2 semaphore(%run_scoped3A : memref<!tpu.dma_semaphore, #tpu.memory_space<semaphore_mem>>) src(%arg18 : memref<80x16xf32, #tpu.memory_space<vmem>>) dst(%dma_wait3A_100 : memref<80x16xf32, #tpu.memory_space<vmem_shared>>)
      tpu.yield
    }) : () -> ()
    %add3A_43 = arith.constant 480 : i32
    %add3A_44 = arith.addi %mul3A_2, %add3A_43 : i32
    "tpu.region"() ({
      %run_scoped3A = tpu.sem_alloc : memref<!tpu.dma_semaphore, #tpu.memory_space<semaphore_mem>>
      %dma_start3A_93 = tpu.memref_slice %arg23[%add3A_44] : memref<10240xf32, #tpu.memory_space<vmem_shared>> -> memref<80xf32, #tpu.memory_space<vmem_shared>>
      %dma_start3A_94 = tpu.memref_slice %arg23[%add3A_44] : memref<10240xf32, #tpu.memory_space<vmem_shared>> -> memref<80xf32, #tpu.memory_space<vmem_shared>>
      tpu.enqueue_dma source(%arg20 : memref<80xf32, #tpu.memory_space<vmem>>) target(%dma_start3A_94 : memref<80xf32, #tpu.memory_space<vmem_shared>>) target_semaphore(%run_scoped3A : memref<!tpu.dma_semaphore, #tpu.memory_space<semaphore_mem>>)
      %dma_wait3A_95 = tpu.memref_slice %arg23[%add3A_44] : memref<10240xf32, #tpu.memory_space<vmem_shared>> -> memref<80xf32, #tpu.memory_space<vmem_shared>>
      %dma_wait3A_96 = tpu.memref_slice %arg23[%add3A_44] : memref<10240xf32, #tpu.memory_space<vmem_shared>> -> memref<80xf32, #tpu.memory_space<vmem_shared>>
      tpu.wait_dma2 semaphore(%run_scoped3A : memref<!tpu.dma_semaphore, #tpu.memory_space<semaphore_mem>>) src(%arg20 : memref<80xf32, #tpu.memory_space<vmem>>) dst(%dma_wait3A_96 : memref<80xf32, #tpu.memory_space<vmem_shared>>)
      tpu.yield
    }) : () -> ()
    %add3A_45 = arith.constant 560 : i32
    %add3A_46 = arith.addi %mul3A_2, %add3A_45 : i32
    "tpu.region"() ({
      %run_scoped3A = tpu.sem_alloc : memref<!tpu.dma_semaphore, #tpu.memory_space<semaphore_mem>>
      %dma_start3A_93 = arith.constant 0 : i32
      %dma_start3A_94 = tpu.memref_slice %arg21[%add3A_46, %dma_start3A_93] : memref<10240x128xf32, #tpu.memory_space<vmem_shared>> -> memref<80x128xf32, #tpu.memory_space<vmem_shared>>
      %dma_start3A_95 = arith.constant 0 : i32
      %dma_start3A_96 = tpu.memref_slice %arg21[%add3A_46, %dma_start3A_95] : memref<10240x128xf32, #tpu.memory_space<vmem_shared>> -> memref<80x128xf32, #tpu.memory_space<vmem_shared>>
      tpu.enqueue_dma source(%arg16 : memref<80x128xf32, #tpu.memory_space<vmem>>) target(%dma_start3A_96 : memref<80x128xf32, #tpu.memory_space<vmem_shared>>) target_semaphore(%run_scoped3A : memref<!tpu.dma_semaphore, #tpu.memory_space<semaphore_mem>>)
      %dma_wait3A_97 = arith.constant 0 : i32
      %dma_wait3A_98 = tpu.memref_slice %arg21[%add3A_46, %dma_wait3A_97] : memref<10240x128xf32, #tpu.memory_space<vmem_shared>> -> memref<80x128xf32, #tpu.memory_space<vmem_shared>>
      %dma_wait3A_99 = arith.constant 0 : i32
      %dma_wait3A_100 = tpu.memref_slice %arg21[%add3A_46, %dma_wait3A_99] : memref<10240x128xf32, #tpu.memory_space<vmem_shared>> -> memref<80x128xf32, #tpu.memory_space<vmem_shared>>
      tpu.wait_dma2 semaphore(%run_scoped3A : memref<!tpu.dma_semaphore, #tpu.memory_space<semaphore_mem>>) src(%arg16 : memref<80x128xf32, #tpu.memory_space<vmem>>) dst(%dma_wait3A_100 : memref<80x128xf32, #tpu.memory_space<vmem_shared>>)
      tpu.yield
    }) : () -> ()
    %add3A_47 = arith.constant 560 : i32
    %add3A_48 = arith.addi %mul3A_2, %add3A_47 : i32
    "tpu.region"() ({
      %run_scoped3A = tpu.sem_alloc : memref<!tpu.dma_semaphore, #tpu.memory_space<semaphore_mem>>
      %dma_start3A_93 = arith.constant 0 : i32
      %dma_start3A_94 = tpu.memref_slice %arg22[%add3A_48, %dma_start3A_93] : memref<10240x16xf32, #tpu.memory_space<vmem_shared>> -> memref<80x16xf32, #tpu.memory_space<vmem_shared>>
      %dma_start3A_95 = arith.constant 0 : i32
      %dma_start3A_96 = tpu.memref_slice %arg22[%add3A_48, %dma_start3A_95] : memref<10240x16xf32, #tpu.memory_space<vmem_shared>> -> memref<80x16xf32, #tpu.memory_space<vmem_shared>>
      tpu.enqueue_dma source(%arg18 : memref<80x16xf32, #tpu.memory_space<vmem>>) target(%dma_start3A_96 : memref<80x16xf32, #tpu.memory_space<vmem_shared>>) target_semaphore(%run_scoped3A : memref<!tpu.dma_semaphore, #tpu.memory_space<semaphore_mem>>)
      %dma_wait3A_97 = arith.constant 0 : i32
      %dma_wait3A_98 = tpu.memref_slice %arg22[%add3A_48, %dma_wait3A_97] : memref<10240x16xf32, #tpu.memory_space<vmem_shared>> -> memref<80x16xf32, #tpu.memory_space<vmem_shared>>
      %dma_wait3A_99 = arith.constant 0 : i32
      %dma_wait3A_100 = tpu.memref_slice %arg22[%add3A_48, %dma_wait3A_99] : memref<10240x16xf32, #tpu.memory_space<vmem_shared>> -> memref<80x16xf32, #tpu.memory_space<vmem_shared>>
      tpu.wait_dma2 semaphore(%run_scoped3A : memref<!tpu.dma_semaphore, #tpu.memory_space<semaphore_mem>>) src(%arg18 : memref<80x16xf32, #tpu.memory_space<vmem>>) dst(%dma_wait3A_100 : memref<80x16xf32, #tpu.memory_space<vmem_shared>>)
      tpu.yield
    }) : () -> ()
    %add3A_49 = arith.constant 560 : i32
    %add3A_50 = arith.addi %mul3A_2, %add3A_49 : i32
    "tpu.region"() ({
      %run_scoped3A = tpu.sem_alloc : memref<!tpu.dma_semaphore, #tpu.memory_space<semaphore_mem>>
      %dma_start3A_93 = tpu.memref_slice %arg23[%add3A_50] : memref<10240xf32, #tpu.memory_space<vmem_shared>> -> memref<80xf32, #tpu.memory_space<vmem_shared>>
      %dma_start3A_94 = tpu.memref_slice %arg23[%add3A_50] : memref<10240xf32, #tpu.memory_space<vmem_shared>> -> memref<80xf32, #tpu.memory_space<vmem_shared>>
      tpu.enqueue_dma source(%arg20 : memref<80xf32, #tpu.memory_space<vmem>>) target(%dma_start3A_94 : memref<80xf32, #tpu.memory_space<vmem_shared>>) target_semaphore(%run_scoped3A : memref<!tpu.dma_semaphore, #tpu.memory_space<semaphore_mem>>)
      %dma_wait3A_95 = tpu.memref_slice %arg23[%add3A_50] : memref<10240xf32, #tpu.memory_space<vmem_shared>> -> memref<80xf32, #tpu.memory_space<vmem_shared>>
      %dma_wait3A_96 = tpu.memref_slice %arg23[%add3A_50] : memref<10240xf32, #tpu.memory_space<vmem_shared>> -> memref<80xf32, #tpu.memory_space<vmem_shared>>
      tpu.wait_dma2 semaphore(%run_scoped3A : memref<!tpu.dma_semaphore, #tpu.memory_space<semaphore_mem>>) src(%arg20 : memref<80xf32, #tpu.memory_space<vmem>>) dst(%dma_wait3A_96 : memref<80xf32, #tpu.memory_space<vmem_shared>>)
      tpu.yield
    }) : () -> ()
    "tpu.region"() ({
      %run_scoped3A = tpu.sem_alloc : memref<!tpu.dma_semaphore, #tpu.memory_space<semaphore_mem>>
      tpu.enqueue_dma source(%arg9 : memref<80xf32, #tpu.memory_space<hbm>>) target(%arg20 : memref<80xf32, #tpu.memory_space<vmem>>) target_semaphore(%run_scoped3A : memref<!tpu.dma_semaphore, #tpu.memory_space<semaphore_mem>>)
      tpu.wait_dma2 semaphore(%run_scoped3A : memref<!tpu.dma_semaphore, #tpu.memory_space<semaphore_mem>>) src(%arg9 : memref<80xf32, #tpu.memory_space<hbm>>) dst(%arg20 : memref<80xf32, #tpu.memory_space<vmem>>)
      tpu.yield
    }) : () -> ()
    %mul3A_51 = arith.constant 10000 : i32
    %mul3A_52 = arith.muli %add3A, %mul3A_51 : i32
    "tpu.region"() ({
      %run_scoped3A = tpu.sem_alloc : memref<!tpu.dma_semaphore, #tpu.memory_space<semaphore_mem>>
      %dma_start3A_93 = tpu.memref_slice %arg3[%mul3A_52] : memref<320000xi32, #tpu.memory_space<hbm>> -> memref<10000xi32, #tpu.memory_space<hbm>>
      %dma_start3A_94 = tpu.memref_slice %arg3[%mul3A_52] : memref<320000xi32, #tpu.memory_space<hbm>> -> memref<10000xi32, #tpu.memory_space<hbm>>
      tpu.enqueue_dma source(%dma_start3A_94 : memref<10000xi32, #tpu.memory_space<hbm>>) target(%arg13 : memref<10000xi32, #tpu.memory_space<vmem>>) target_semaphore(%run_scoped3A : memref<!tpu.dma_semaphore, #tpu.memory_space<semaphore_mem>>)
      %dma_wait3A_95 = tpu.memref_slice %arg3[%mul3A_52] : memref<320000xi32, #tpu.memory_space<hbm>> -> memref<10000xi32, #tpu.memory_space<hbm>>
      %dma_wait3A_96 = tpu.memref_slice %arg3[%mul3A_52] : memref<320000xi32, #tpu.memory_space<hbm>> -> memref<10000xi32, #tpu.memory_space<hbm>>
      tpu.wait_dma2 semaphore(%run_scoped3A : memref<!tpu.dma_semaphore, #tpu.memory_space<semaphore_mem>>) src(%dma_wait3A_96 : memref<10000xi32, #tpu.memory_space<hbm>>) dst(%arg13 : memref<10000xi32, #tpu.memory_space<vmem>>)
      tpu.yield
    }) : () -> ()
    %barrier3A = arith.constant 0 : index
    tpu.barrier barrier_id(%barrier3A)
    %scan3A = arith.constant 0 : i32
    %scan3A_53 = arith.constant 0 : i32
    %scan3A_54 = arith.constant 62 : i32
    %scan3A_55 = arith.addi %scan3A_53, %scan3A_54 : i32
    %scan3A_56 = arith.constant 1 : i32
    scf.for %scan3A_93 = %scan3A_53 to %scan3A_55 step %scan3A_56  : i32 {
      %mul3A_94 = arith.constant 2 : i32
      %mul3A_95 = arith.muli %mul3A_94, %scan3A_93 : i32
      %mul3A_96 = arith.constant 80 : i32
      %mul3A_97 = arith.muli %mul3A_95, %mul3A_96 : i32
      %add3A_98 = arith.addi %mul3A_52, %mul3A_97 : i32
      "tpu.region"() ({
        %run_scoped3A = tpu.sem_alloc : memref<!tpu.dma_semaphore, #tpu.memory_space<semaphore_mem>>
        %dma_start3A_174 = tpu.memref_slice %arg4[%add3A_98] : memref<320000xi32, #tpu.memory_space<hbm>> -> memref<80xi32, #tpu.memory_space<hbm>>
        %dma_start3A_175 = tpu.memref_slice %arg4[%add3A_98] : memref<320000xi32, #tpu.memory_space<hbm>> -> memref<80xi32, #tpu.memory_space<hbm>>
        tpu.enqueue_dma source(%dma_start3A_175 : memref<80xi32, #tpu.memory_space<hbm>>) target(%arg14 : memref<80xi32, #tpu.memory_space<vmem>>) target_semaphore(%run_scoped3A : memref<!tpu.dma_semaphore, #tpu.memory_space<semaphore_mem>>)
        %dma_wait3A_176 = tpu.memref_slice %arg4[%add3A_98] : memref<320000xi32, #tpu.memory_space<hbm>> -> memref<80xi32, #tpu.memory_space<hbm>>
        %dma_wait3A_177 = tpu.memref_slice %arg4[%add3A_98] : memref<320000xi32, #tpu.memory_space<hbm>> -> memref<80xi32, #tpu.memory_space<hbm>>
        tpu.wait_dma2 semaphore(%run_scoped3A : memref<!tpu.dma_semaphore, #tpu.memory_space<semaphore_mem>>) src(%dma_wait3A_177 : memref<80xi32, #tpu.memory_space<hbm>>) dst(%arg14 : memref<80xi32, #tpu.memory_space<vmem>>)
        tpu.yield
      }) : () -> ()
      %mul3A_99 = arith.constant 80 : i32
      %mul3A_100 = arith.muli %mul3A_95, %mul3A_99 : i32
      %dma_start3A_101 = tpu.memref_slice %arg13[%mul3A_100] : memref<10000xi32, #tpu.memory_space<vmem>> -> memref<80xi32, #tpu.memory_space<vmem>>
      %dma_start3A_102 = arith.constant 0 : i32
      %dma_start3A_103 = arith.constant 0 : i32
      %dma_start3A_104 = tpu.memref_slice %arg2[%dma_start3A_102, %dma_start3A_103] : memref<10000x128xf32, #tpu.memory_space<hbm>> -> memref<10000x128xf32, #tpu.memory_space<hbm>>
      tpu.enqueue_indirect_dma source(%dma_start3A_104 : memref<10000x128xf32, #tpu.memory_space<hbm>>) target(%arg16 : memref<80x128xf32, #tpu.memory_space<vmem>>) offsets(%dma_start3A_101 : memref<80xi32, #tpu.memory_space<vmem>>) semaphore(%arg24 : memref<!tpu.dma_semaphore, #tpu.memory_space<semaphore_mem>>)
      %dma_start3A_105 = arith.constant 0 : i32
      %dma_start3A_106 = tpu.memref_slice %arg5[%add3A_98, %dma_start3A_105] : memref<320000x16xf32, #tpu.memory_space<hbm>> -> memref<80x16xf32, #tpu.memory_space<hbm>>
      %dma_start3A_107 = arith.constant 0 : i32
      %dma_start3A_108 = tpu.memref_slice %arg5[%add3A_98, %dma_start3A_107] : memref<320000x16xf32, #tpu.memory_space<hbm>> -> memref<80x16xf32, #tpu.memory_space<hbm>>
      tpu.enqueue_dma source(%dma_start3A_108 : memref<80x16xf32, #tpu.memory_space<hbm>>) target(%arg18 : memref<80x16xf32, #tpu.memory_space<vmem>>) target_semaphore(%arg26 : memref<!tpu.dma_semaphore, #tpu.memory_space<semaphore_mem>>)
      %mul3A_109 = arith.constant 2 : i32
      %mul3A_110 = arith.muli %mul3A_109, %scan3A_93 : i32
      %add3A_111 = arith.constant 1 : i32
      %add3A_112 = arith.addi %mul3A_110, %add3A_111 : i32
      %mul3A_113 = arith.constant 80 : i32
      %mul3A_114 = arith.muli %add3A_112, %mul3A_113 : i32
      %add3A_115 = arith.addi %mul3A_52, %mul3A_114 : i32
      "tpu.region"() ({
        %run_scoped3A = tpu.sem_alloc : memref<!tpu.dma_semaphore, #tpu.memory_space<semaphore_mem>>
        %dma_start3A_174 = tpu.memref_slice %arg4[%add3A_115] : memref<320000xi32, #tpu.memory_space<hbm>> -> memref<80xi32, #tpu.memory_space<hbm>>
        %dma_start3A_175 = tpu.memref_slice %arg4[%add3A_115] : memref<320000xi32, #tpu.memory_space<hbm>> -> memref<80xi32, #tpu.memory_space<hbm>>
        tpu.enqueue_dma source(%dma_start3A_175 : memref<80xi32, #tpu.memory_space<hbm>>) target(%arg15 : memref<80xi32, #tpu.memory_space<vmem>>) target_semaphore(%run_scoped3A : memref<!tpu.dma_semaphore, #tpu.memory_space<semaphore_mem>>)
        %dma_wait3A_176 = tpu.memref_slice %arg4[%add3A_115] : memref<320000xi32, #tpu.memory_space<hbm>> -> memref<80xi32, #tpu.memory_space<hbm>>
        %dma_wait3A_177 = tpu.memref_slice %arg4[%add3A_115] : memref<320000xi32, #tpu.memory_space<hbm>> -> memref<80xi32, #tpu.memory_space<hbm>>
        tpu.wait_dma2 semaphore(%run_scoped3A : memref<!tpu.dma_semaphore, #tpu.memory_space<semaphore_mem>>) src(%dma_wait3A_177 : memref<80xi32, #tpu.memory_space<hbm>>) dst(%arg15 : memref<80xi32, #tpu.memory_space<vmem>>)
        tpu.yield
      }) : () -> ()
      %mul3A_116 = arith.constant 80 : i32
      %mul3A_117 = arith.muli %add3A_112, %mul3A_116 : i32
      %dma_start3A_118 = tpu.memref_slice %arg13[%mul3A_117] : memref<10000xi32, #tpu.memory_space<vmem>> -> memref<80xi32, #tpu.memory_space<vmem>>
      %dma_start3A_119 = arith.constant 0 : i32
      %dma_start3A_120 = arith.constant 0 : i32
      %dma_start3A_121 = tpu.memref_slice %arg2[%dma_start3A_119, %dma_start3A_120] : memref<10000x128xf32, #tpu.memory_space<hbm>> -> memref<10000x128xf32, #tpu.memory_space<hbm>>
      tpu.enqueue_indirect_dma source(%dma_start3A_121 : memref<10000x128xf32, #tpu.memory_space<hbm>>) target(%arg17 : memref<80x128xf32, #tpu.memory_space<vmem>>) offsets(%dma_start3A_118 : memref<80xi32, #tpu.memory_space<vmem>>) semaphore(%arg25 : memref<!tpu.dma_semaphore, #tpu.memory_space<semaphore_mem>>)
      %dma_start3A_122 = arith.constant 0 : i32
      %dma_start3A_123 = tpu.memref_slice %arg5[%add3A_115, %dma_start3A_122] : memref<320000x16xf32, #tpu.memory_space<hbm>> -> memref<80x16xf32, #tpu.memory_space<hbm>>
      %dma_start3A_124 = arith.constant 0 : i32
      %dma_start3A_125 = tpu.memref_slice %arg5[%add3A_115, %dma_start3A_124] : memref<320000x16xf32, #tpu.memory_space<hbm>> -> memref<80x16xf32, #tpu.memory_space<hbm>>
      tpu.enqueue_dma source(%dma_start3A_125 : memref<80x16xf32, #tpu.memory_space<hbm>>) target(%arg19 : memref<80x16xf32, #tpu.memory_space<vmem>>) target_semaphore(%arg27 : memref<!tpu.dma_semaphore, #tpu.memory_space<semaphore_mem>>)
      %dma_wait3A_126 = tpu.memref_slice %arg13[%mul3A_100] : memref<10000xi32, #tpu.memory_space<vmem>> -> memref<80xi32, #tpu.memory_space<vmem>>
      %dma_wait3A_127 = arith.constant 0 : i32
      %dma_wait3A_128 = arith.constant 0 : i32
      %dma_wait3A_129 = tpu.memref_slice %arg2[%dma_wait3A_127, %dma_wait3A_128] : memref<10000x128xf32, #tpu.memory_space<hbm>> -> memref<10000x128xf32, #tpu.memory_space<hbm>>
      tpu.wait_indirect_dma semaphore(%arg24 : memref<!tpu.dma_semaphore, #tpu.memory_space<semaphore_mem>>) src(%dma_wait3A_129 : memref<10000x128xf32, #tpu.memory_space<hbm>>) dst(%arg16 : memref<80x128xf32, #tpu.memory_space<vmem>>)
      %dma_wait3A_130 = arith.constant 0 : i32
      %dma_wait3A_131 = tpu.memref_slice %arg5[%add3A_98, %dma_wait3A_130] : memref<320000x16xf32, #tpu.memory_space<hbm>> -> memref<80x16xf32, #tpu.memory_space<hbm>>
      %dma_wait3A_132 = arith.constant 0 : i32
      %dma_wait3A_133 = tpu.memref_slice %arg5[%add3A_98, %dma_wait3A_132] : memref<320000x16xf32, #tpu.memory_space<hbm>> -> memref<80x16xf32, #tpu.memory_space<hbm>>
      tpu.wait_dma2 semaphore(%arg26 : memref<!tpu.dma_semaphore, #tpu.memory_space<semaphore_mem>>) src(%dma_wait3A_133 : memref<80x16xf32, #tpu.memory_space<hbm>>) dst(%arg18 : memref<80x16xf32, #tpu.memory_space<vmem>>)
      %dma_start3A_134 = arith.constant 0 : i32
      %dma_start3A_135 = arith.constant 0 : i32
      %dma_start3A_136 = tpu.memref_slice %arg21[%dma_start3A_134, %dma_start3A_135] : memref<10240x128xf32, #tpu.memory_space<vmem_shared>> -> memref<10240x128xf32, #tpu.memory_space<vmem_shared>>
      tpu.enqueue_indirect_dma source(%arg16 : memref<80x128xf32, #tpu.memory_space<vmem>>) target(%dma_start3A_136 : memref<10240x128xf32, #tpu.memory_space<vmem_shared>>) offsets(%arg14 : memref<80xi32, #tpu.memory_space<vmem>>) semaphore(%arg28 : memref<!tpu.dma_semaphore, #tpu.memory_space<semaphore_mem>>) {add = true}
      %dma_start3A_137 = arith.constant 0 : i32
      %dma_start3A_138 = arith.constant 0 : i32
      %dma_start3A_139 = tpu.memref_slice %arg22[%dma_start3A_137, %dma_start3A_138] : memref<10240x16xf32, #tpu.memory_space<vmem_shared>> -> memref<10240x16xf32, #tpu.memory_space<vmem_shared>>
      tpu.enqueue_indirect_dma source(%arg18 : memref<80x16xf32, #tpu.memory_space<vmem>>) target(%dma_start3A_139 : memref<10240x16xf32, #tpu.memory_space<vmem_shared>>) offsets(%arg14 : memref<80xi32, #tpu.memory_space<vmem>>) semaphore(%arg28 : memref<!tpu.dma_semaphore, #tpu.memory_space<semaphore_mem>>) {add = true}
      %dma_start3A_140 = arith.constant 0 : i32
      %dma_start3A_141 = tpu.memref_slice %arg23[%dma_start3A_140] : memref<10240xf32, #tpu.memory_space<vmem_shared>> -> memref<10240xf32, #tpu.memory_space<vmem_shared>>
      tpu.enqueue_indirect_dma source(%arg20 : memref<80xf32, #tpu.memory_space<vmem>>) target(%dma_start3A_141 : memref<10240xf32, #tpu.memory_space<vmem_shared>>) offsets(%arg14 : memref<80xi32, #tpu.memory_space<vmem>>) semaphore(%arg28 : memref<!tpu.dma_semaphore, #tpu.memory_space<semaphore_mem>>) {add = true}
      %dma_wait3A_142 = tpu.memref_slice %arg13[%mul3A_117] : memref<10000xi32, #tpu.memory_space<vmem>> -> memref<80xi32, #tpu.memory_space<vmem>>
      %dma_wait3A_143 = arith.constant 0 : i32
      %dma_wait3A_144 = arith.constant 0 : i32
      %dma_wait3A_145 = tpu.memref_slice %arg2[%dma_wait3A_143, %dma_wait3A_144] : memref<10000x128xf32, #tpu.memory_space<hbm>> -> memref<10000x128xf32, #tpu.memory_space<hbm>>
      tpu.wait_indirect_dma semaphore(%arg25 : memref<!tpu.dma_semaphore, #tpu.memory_space<semaphore_mem>>) src(%dma_wait3A_145 : memref<10000x128xf32, #tpu.memory_space<hbm>>) dst(%arg17 : memref<80x128xf32, #tpu.memory_space<vmem>>)
      %dma_wait3A_146 = arith.constant 0 : i32
      %dma_wait3A_147 = tpu.memref_slice %arg5[%add3A_115, %dma_wait3A_146] : memref<320000x16xf32, #tpu.memory_space<hbm>> -> memref<80x16xf32, #tpu.memory_space<hbm>>
      %dma_wait3A_148 = arith.constant 0 : i32
      %dma_wait3A_149 = tpu.memref_slice %arg5[%add3A_115, %dma_wait3A_148] : memref<320000x16xf32, #tpu.memory_space<hbm>> -> memref<80x16xf32, #tpu.memory_space<hbm>>
      tpu.wait_dma2 semaphore(%arg27 : memref<!tpu.dma_semaphore, #tpu.memory_space<semaphore_mem>>) src(%dma_wait3A_149 : memref<80x16xf32, #tpu.memory_space<hbm>>) dst(%arg19 : memref<80x16xf32, #tpu.memory_space<vmem>>)
      %dma_start3A_150 = arith.constant 0 : i32
      %dma_start3A_151 = arith.constant 0 : i32
      %dma_start3A_152 = tpu.memref_slice %arg21[%dma_start3A_150, %dma_start3A_151] : memref<10240x128xf32, #tpu.memory_space<vmem_shared>> -> memref<10240x128xf32, #tpu.memory_space<vmem_shared>>
      tpu.enqueue_indirect_dma source(%arg17 : memref<80x128xf32, #tpu.memory_space<vmem>>) target(%dma_start3A_152 : memref<10240x128xf32, #tpu.memory_space<vmem_shared>>) offsets(%arg15 : memref<80xi32, #tpu.memory_space<vmem>>) semaphore(%arg29 : memref<!tpu.dma_semaphore, #tpu.memory_space<semaphore_mem>>) {add = true}
      %dma_start3A_153 = arith.constant 0 : i32
      %dma_start3A_154 = arith.constant 0 : i32
      %dma_start3A_155 = tpu.memref_slice %arg22[%dma_start3A_153, %dma_start3A_154] : memref<10240x16xf32, #tpu.memory_space<vmem_shared>> -> memref<10240x16xf32, #tpu.memory_space<vmem_shared>>
      tpu.enqueue_indirect_dma source(%arg19 : memref<80x16xf32, #tpu.memory_space<vmem>>) target(%dma_start3A_155 : memref<10240x16xf32, #tpu.memory_space<vmem_shared>>) offsets(%arg15 : memref<80xi32, #tpu.memory_space<vmem>>) semaphore(%arg29 : memref<!tpu.dma_semaphore, #tpu.memory_space<semaphore_mem>>) {add = true}
      %dma_start3A_156 = arith.constant 0 : i32
      %dma_start3A_157 = tpu.memref_slice %arg23[%dma_start3A_156] : memref<10240xf32, #tpu.memory_space<vmem_shared>> -> memref<10240xf32, #tpu.memory_space<vmem_shared>>
      tpu.enqueue_indirect_dma source(%arg20 : memref<80xf32, #tpu.memory_space<vmem>>) target(%dma_start3A_157 : memref<10240xf32, #tpu.memory_space<vmem_shared>>) offsets(%arg15 : memref<80xi32, #tpu.memory_space<vmem>>) semaphore(%arg29 : memref<!tpu.dma_semaphore, #tpu.memory_space<semaphore_mem>>) {add = true}
      %dma_wait3A_158 = arith.constant 0 : i32
      %dma_wait3A_159 = arith.constant 0 : i32
      %dma_wait3A_160 = tpu.memref_slice %arg21[%dma_wait3A_158, %dma_wait3A_159] : memref<10240x128xf32, #tpu.memory_space<vmem_shared>> -> memref<10240x128xf32, #tpu.memory_space<vmem_shared>>
      tpu.wait_indirect_dma semaphore(%arg28 : memref<!tpu.dma_semaphore, #tpu.memory_space<semaphore_mem>>) src(%arg16 : memref<80x128xf32, #tpu.memory_space<vmem>>) dst(%dma_wait3A_160 : memref<10240x128xf32, #tpu.memory_space<vmem_shared>>)
      %dma_wait3A_161 = arith.constant 0 : i32
      %dma_wait3A_162 = arith.constant 0 : i32
      %dma_wait3A_163 = tpu.memref_slice %arg22[%dma_wait3A_161, %dma_wait3A_162] : memref<10240x16xf32, #tpu.memory_space<vmem_shared>> -> memref<10240x16xf32, #tpu.memory_space<vmem_shared>>
      tpu.wait_indirect_dma semaphore(%arg28 : memref<!tpu.dma_semaphore, #tpu.memory_space<semaphore_mem>>) src(%arg18 : memref<80x16xf32, #tpu.memory_space<vmem>>) dst(%dma_wait3A_163 : memref<10240x16xf32, #tpu.memory_space<vmem_shared>>)
      %dma_wait3A_164 = arith.constant 0 : i32
      %dma_wait3A_165 = tpu.memref_slice %arg23[%dma_wait3A_164] : memref<10240xf32, #tpu.memory_space<vmem_shared>> -> memref<10240xf32, #tpu.memory_space<vmem_shared>>
      tpu.wait_indirect_dma semaphore(%arg28 : memref<!tpu.dma_semaphore, #tpu.memory_space<semaphore_mem>>) src(%arg20 : memref<80xf32, #tpu.memory_space<vmem>>) dst(%dma_wait3A_165 : memref<10240xf32, #tpu.memory_space<vmem_shared>>)
      %dma_wait3A_166 = arith.constant 0 : i32
      %dma_wait3A_167 = arith.constant 0 : i32
      %dma_wait3A_168 = tpu.memref_slice %arg21[%dma_wait3A_166, %dma_wait3A_167] : memref<10240x128xf32, #tpu.memory_space<vmem_shared>> -> memref<10240x128xf32, #tpu.memory_space<vmem_shared>>
      tpu.wait_indirect_dma semaphore(%arg29 : memref<!tpu.dma_semaphore, #tpu.memory_space<semaphore_mem>>) src(%arg17 : memref<80x128xf32, #tpu.memory_space<vmem>>) dst(%dma_wait3A_168 : memref<10240x128xf32, #tpu.memory_space<vmem_shared>>)
      %dma_wait3A_169 = arith.constant 0 : i32
      %dma_wait3A_170 = arith.constant 0 : i32
      %dma_wait3A_171 = tpu.memref_slice %arg22[%dma_wait3A_169, %dma_wait3A_170] : memref<10240x16xf32, #tpu.memory_space<vmem_shared>> -> memref<10240x16xf32, #tpu.memory_space<vmem_shared>>
      tpu.wait_indirect_dma semaphore(%arg29 : memref<!tpu.dma_semaphore, #tpu.memory_space<semaphore_mem>>) src(%arg19 : memref<80x16xf32, #tpu.memory_space<vmem>>) dst(%dma_wait3A_171 : memref<10240x16xf32, #tpu.memory_space<vmem_shared>>)
      %dma_wait3A_172 = arith.constant 0 : i32
      %dma_wait3A_173 = tpu.memref_slice %arg23[%dma_wait3A_172] : memref<10240xf32, #tpu.memory_space<vmem_shared>> -> memref<10240xf32, #tpu.memory_space<vmem_shared>>
      tpu.wait_indirect_dma semaphore(%arg29 : memref<!tpu.dma_semaphore, #tpu.memory_space<semaphore_mem>>) src(%arg20 : memref<80xf32, #tpu.memory_space<vmem>>) dst(%dma_wait3A_173 : memref<10240xf32, #tpu.memory_space<vmem_shared>>)
    }
    %scan3A_57 = arith.constant 62 : i32
    %add3A_58 = arith.constant 9920 : i32
    %add3A_59 = arith.addi %mul3A_52, %add3A_58 : i32
    "tpu.region"() ({
      %run_scoped3A = tpu.sem_alloc : memref<!tpu.dma_semaphore, #tpu.memory_space<semaphore_mem>>
      %dma_start3A_93 = tpu.memref_slice %arg4[%add3A_59] : memref<320000xi32, #tpu.memory_space<hbm>> -> memref<80xi32, #tpu.memory_space<hbm>>
      %dma_start3A_94 = tpu.memref_slice %arg4[%add3A_59] : memref<320000xi32, #tpu.memory_space<hbm>> -> memref<80xi32, #tpu.memory_space<hbm>>
      tpu.enqueue_dma source(%dma_start3A_94 : memref<80xi32, #tpu.memory_space<hbm>>) target(%arg14 : memref<80xi32, #tpu.memory_space<vmem>>) target_semaphore(%run_scoped3A : memref<!tpu.dma_semaphore, #tpu.memory_space<semaphore_mem>>)
      %dma_wait3A_95 = tpu.memref_slice %arg4[%add3A_59] : memref<320000xi32, #tpu.memory_space<hbm>> -> memref<80xi32, #tpu.memory_space<hbm>>
      %dma_wait3A_96 = tpu.memref_slice %arg4[%add3A_59] : memref<320000xi32, #tpu.memory_space<hbm>> -> memref<80xi32, #tpu.memory_space<hbm>>
      tpu.wait_dma2 semaphore(%run_scoped3A : memref<!tpu.dma_semaphore, #tpu.memory_space<semaphore_mem>>) src(%dma_wait3A_96 : memref<80xi32, #tpu.memory_space<hbm>>) dst(%arg14 : memref<80xi32, #tpu.memory_space<vmem>>)
      tpu.yield
    }) : () -> ()
    %dma_start3A = arith.constant 9920 : i32
    %dma_start3A_60 = tpu.memref_slice %arg13[%dma_start3A] : memref<10000xi32, #tpu.memory_space<vmem>> -> memref<80xi32, #tpu.memory_space<vmem>>
    %dma_start3A_61 = arith.constant 0 : i32
    %dma_start3A_62 = arith.constant 0 : i32
    %dma_start3A_63 = tpu.memref_slice %arg2[%dma_start3A_61, %dma_start3A_62] : memref<10000x128xf32, #tpu.memory_space<hbm>> -> memref<10000x128xf32, #tpu.memory_space<hbm>>
    tpu.enqueue_indirect_dma source(%dma_start3A_63 : memref<10000x128xf32, #tpu.memory_space<hbm>>) target(%arg16 : memref<80x128xf32, #tpu.memory_space<vmem>>) offsets(%dma_start3A_60 : memref<80xi32, #tpu.memory_space<vmem>>) semaphore(%arg24 : memref<!tpu.dma_semaphore, #tpu.memory_space<semaphore_mem>>)
    %dma_start3A_64 = arith.constant 0 : i32
    %dma_start3A_65 = tpu.memref_slice %arg5[%add3A_59, %dma_start3A_64] : memref<320000x16xf32, #tpu.memory_space<hbm>> -> memref<80x16xf32, #tpu.memory_space<hbm>>
    %dma_start3A_66 = arith.constant 0 : i32
    %dma_start3A_67 = tpu.memref_slice %arg5[%add3A_59, %dma_start3A_66] : memref<320000x16xf32, #tpu.memory_space<hbm>> -> memref<80x16xf32, #tpu.memory_space<hbm>>
    tpu.enqueue_dma source(%dma_start3A_67 : memref<80x16xf32, #tpu.memory_space<hbm>>) target(%arg18 : memref<80x16xf32, #tpu.memory_space<vmem>>) target_semaphore(%arg26 : memref<!tpu.dma_semaphore, #tpu.memory_space<semaphore_mem>>)
    %dma_wait3A = arith.constant 9920 : i32
    %dma_wait3A_68 = tpu.memref_slice %arg13[%dma_wait3A] : memref<10000xi32, #tpu.memory_space<vmem>> -> memref<80xi32, #tpu.memory_space<vmem>>
    %dma_wait3A_69 = arith.constant 0 : i32
    %dma_wait3A_70 = arith.constant 0 : i32
    %dma_wait3A_71 = tpu.memref_slice %arg2[%dma_wait3A_69, %dma_wait3A_70] : memref<10000x128xf32, #tpu.memory_space<hbm>> -> memref<10000x128xf32, #tpu.memory_space<hbm>>
    tpu.wait_indirect_dma semaphore(%arg24 : memref<!tpu.dma_semaphore, #tpu.memory_space<semaphore_mem>>) src(%dma_wait3A_71 : memref<10000x128xf32, #tpu.memory_space<hbm>>) dst(%arg16 : memref<80x128xf32, #tpu.memory_space<vmem>>)
    %dma_wait3A_72 = arith.constant 0 : i32
    %dma_wait3A_73 = tpu.memref_slice %arg5[%add3A_59, %dma_wait3A_72] : memref<320000x16xf32, #tpu.memory_space<hbm>> -> memref<80x16xf32, #tpu.memory_space<hbm>>
    %dma_wait3A_74 = arith.constant 0 : i32
    %dma_wait3A_75 = tpu.memref_slice %arg5[%add3A_59, %dma_wait3A_74] : memref<320000x16xf32, #tpu.memory_space<hbm>> -> memref<80x16xf32, #tpu.memory_space<hbm>>
    tpu.wait_dma2 semaphore(%arg26 : memref<!tpu.dma_semaphore, #tpu.memory_space<semaphore_mem>>) src(%dma_wait3A_75 : memref<80x16xf32, #tpu.memory_space<hbm>>) dst(%arg18 : memref<80x16xf32, #tpu.memory_space<vmem>>)
    %dma_start3A_76 = arith.constant 0 : i32
    %dma_start3A_77 = arith.constant 0 : i32
    %dma_start3A_78 = tpu.memref_slice %arg21[%dma_start3A_76, %dma_start3A_77] : memref<10240x128xf32, #tpu.memory_space<vmem_shared>> -> memref<10240x128xf32, #tpu.memory_space<vmem_shared>>
    tpu.enqueue_indirect_dma source(%arg16 : memref<80x128xf32, #tpu.memory_space<vmem>>) target(%dma_start3A_78 : memref<10240x128xf32, #tpu.memory_space<vmem_shared>>) offsets(%arg14 : memref<80xi32, #tpu.memory_space<vmem>>) semaphore(%arg28 : memref<!tpu.dma_semaphore, #tpu.memory_space<semaphore_mem>>) {add = true}
    %dma_start3A_79 = arith.constant 0 : i32
    %dma_start3A_80 = arith.constant 0 : i32
    %dma_start3A_81 = tpu.memref_slice %arg22[%dma_start3A_79, %dma_start3A_80] : memref<10240x16xf32, #tpu.memory_space<vmem_shared>> -> memref<10240x16xf32, #tpu.memory_space<vmem_shared>>
    tpu.enqueue_indirect_dma source(%arg18 : memref<80x16xf32, #tpu.memory_space<vmem>>) target(%dma_start3A_81 : memref<10240x16xf32, #tpu.memory_space<vmem_shared>>) offsets(%arg14 : memref<80xi32, #tpu.memory_space<vmem>>) semaphore(%arg28 : memref<!tpu.dma_semaphore, #tpu.memory_space<semaphore_mem>>) {add = true}
    %dma_start3A_82 = arith.constant 0 : i32
    %dma_start3A_83 = tpu.memref_slice %arg23[%dma_start3A_82] : memref<10240xf32, #tpu.memory_space<vmem_shared>> -> memref<10240xf32, #tpu.memory_space<vmem_shared>>
    tpu.enqueue_indirect_dma source(%arg20 : memref<80xf32, #tpu.memory_space<vmem>>) target(%dma_start3A_83 : memref<10240xf32, #tpu.memory_space<vmem_shared>>) offsets(%arg14 : memref<80xi32, #tpu.memory_space<vmem>>) semaphore(%arg28 : memref<!tpu.dma_semaphore, #tpu.memory_space<semaphore_mem>>) {add = true}
    %dma_wait3A_84 = arith.constant 0 : i32
    %dma_wait3A_85 = arith.constant 0 : i32
    %dma_wait3A_86 = tpu.memref_slice %arg21[%dma_wait3A_84, %dma_wait3A_85] : memref<10240x128xf32, #tpu.memory_space<vmem_shared>> -> memref<10240x128xf32, #tpu.memory_space<vmem_shared>>
    tpu.wait_indirect_dma semaphore(%arg28 : memref<!tpu.dma_semaphore, #tpu.memory_space<semaphore_mem>>) src(%arg16 : memref<80x128xf32, #tpu.memory_space<vmem>>) dst(%dma_wait3A_86 : memref<10240x128xf32, #tpu.memory_space<vmem_shared>>)
    %dma_wait3A_87 = arith.constant 0 : i32
    %dma_wait3A_88 = arith.constant 0 : i32
    %dma_wait3A_89 = tpu.memref_slice %arg22[%dma_wait3A_87, %dma_wait3A_88] : memref<10240x16xf32, #tpu.memory_space<vmem_shared>> -> memref<10240x16xf32, #tpu.memory_space<vmem_shared>>
    tpu.wait_indirect_dma semaphore(%arg28 : memref<!tpu.dma_semaphore, #tpu.memory_space<semaphore_mem>>) src(%arg18 : memref<80x16xf32, #tpu.memory_space<vmem>>) dst(%dma_wait3A_89 : memref<10240x16xf32, #tpu.memory_space<vmem_shared>>)
    %dma_wait3A_90 = arith.constant 0 : i32
    %dma_wait3A_91 = tpu.memref_slice %arg23[%dma_wait3A_90] : memref<10240xf32, #tpu.memory_space<vmem_shared>> -> memref<10240xf32, #tpu.memory_space<vmem_shared>>
    tpu.wait_indirect_dma semaphore(%arg28 : memref<!tpu.dma_semaphore, #tpu.memory_space<semaphore_mem>>) src(%arg20 : memref<80xf32, #tpu.memory_space<vmem>>) dst(%dma_wait3A_91 : memref<10240xf32, #tpu.memory_space<vmem_shared>>)
    %barrier3A_92 = arith.constant 0 : index
    tpu.barrier barrier_id(%barrier3A_92)
    "tpu.region"() ({
      %run_scoped3A = tpu.sem_alloc : memref<!tpu.dma_semaphore, #tpu.memory_space<semaphore_mem>>
      %dma_start3A_93 = arith.constant 0 : i32
      %dma_start3A_94 = arith.constant 0 : i32
      %dma_start3A_95 = tpu.memref_slice %arg10[%arg0, %dma_start3A_93, %dma_start3A_94] : memref<2x10240x128xf32, #tpu.memory_space<hbm>> -> memref<1x10240x128xf32, #tpu.memory_space<hbm>>
      %dma_start3A_96 = tpu.memref_squeeze %dma_start3A_95 : memref<1x10240x128xf32, #tpu.memory_space<hbm>> -> memref<10240x128xf32, #tpu.memory_space<hbm>>
      %dma_start3A_97 = arith.constant 0 : i32
      %dma_start3A_98 = tpu.memref_slice %dma_start3A_96[%mul3A_2, %dma_start3A_97] : memref<10240x128xf32, #tpu.memory_space<hbm>> -> memref<640x128xf32, #tpu.memory_space<hbm>>
      %dma_start3A_99 = arith.constant 0 : i32
      %dma_start3A_100 = tpu.memref_slice %arg21[%mul3A_2, %dma_start3A_99] : memref<10240x128xf32, #tpu.memory_space<vmem_shared>> -> memref<640x128xf32, #tpu.memory_space<vmem_shared>>
      tpu.enqueue_dma source(%dma_start3A_100 : memref<640x128xf32, #tpu.memory_space<vmem_shared>>) target(%dma_start3A_98 : memref<640x128xf32, #tpu.memory_space<hbm>>) target_semaphore(%run_scoped3A : memref<!tpu.dma_semaphore, #tpu.memory_space<semaphore_mem>>)
      %dma_wait3A_101 = arith.constant 0 : i32
      %dma_wait3A_102 = arith.constant 0 : i32
      %dma_wait3A_103 = tpu.memref_slice %arg10[%arg0, %dma_wait3A_101, %dma_wait3A_102] : memref<2x10240x128xf32, #tpu.memory_space<hbm>> -> memref<1x10240x128xf32, #tpu.memory_space<hbm>>
      %dma_wait3A_104 = tpu.memref_squeeze %dma_wait3A_103 : memref<1x10240x128xf32, #tpu.memory_space<hbm>> -> memref<10240x128xf32, #tpu.memory_space<hbm>>
      %dma_wait3A_105 = arith.constant 0 : i32
      %dma_wait3A_106 = tpu.memref_slice %dma_wait3A_104[%mul3A_2, %dma_wait3A_105] : memref<10240x128xf32, #tpu.memory_space<hbm>> -> memref<640x128xf32, #tpu.memory_space<hbm>>
      %dma_wait3A_107 = arith.constant 0 : i32
      %dma_wait3A_108 = tpu.memref_slice %arg21[%mul3A_2, %dma_wait3A_107] : memref<10240x128xf32, #tpu.memory_space<vmem_shared>> -> memref<640x128xf32, #tpu.memory_space<vmem_shared>>
      tpu.wait_dma2 semaphore(%run_scoped3A : memref<!tpu.dma_semaphore, #tpu.memory_space<semaphore_mem>>) src(%dma_wait3A_108 : memref<640x128xf32, #tpu.memory_space<vmem_shared>>) dst(%dma_wait3A_106 : memref<640x128xf32, #tpu.memory_space<hbm>>)
      tpu.yield
    }) : () -> ()
    "tpu.region"() ({
      %run_scoped3A = tpu.sem_alloc : memref<!tpu.dma_semaphore, #tpu.memory_space<semaphore_mem>>
      %dma_start3A_93 = arith.constant 0 : i32
      %dma_start3A_94 = arith.constant 0 : i32
      %dma_start3A_95 = tpu.memref_slice %arg11[%arg0, %dma_start3A_93, %dma_start3A_94] : memref<2x10240x16xf32, #tpu.memory_space<hbm>> -> memref<1x10240x16xf32, #tpu.memory_space<hbm>>
      %dma_start3A_96 = tpu.memref_squeeze %dma_start3A_95 : memref<1x10240x16xf32, #tpu.memory_space<hbm>> -> memref<10240x16xf32, #tpu.memory_space<hbm>>
      %dma_start3A_97 = arith.constant 0 : i32
      %dma_start3A_98 = tpu.memref_slice %dma_start3A_96[%mul3A_2, %dma_start3A_97] : memref<10240x16xf32, #tpu.memory_space<hbm>> -> memref<640x16xf32, #tpu.memory_space<hbm>>
      %dma_start3A_99 = arith.constant 0 : i32
      %dma_start3A_100 = tpu.memref_slice %arg22[%mul3A_2, %dma_start3A_99] : memref<10240x16xf32, #tpu.memory_space<vmem_shared>> -> memref<640x16xf32, #tpu.memory_space<vmem_shared>>
      tpu.enqueue_dma source(%dma_start3A_100 : memref<640x16xf32, #tpu.memory_space<vmem_shared>>) target(%dma_start3A_98 : memref<640x16xf32, #tpu.memory_space<hbm>>) target_semaphore(%run_scoped3A : memref<!tpu.dma_semaphore, #tpu.memory_space<semaphore_mem>>)
      %dma_wait3A_101 = arith.constant 0 : i32
      %dma_wait3A_102 = arith.constant 0 : i32
      %dma_wait3A_103 = tpu.memref_slice %arg11[%arg0, %dma_wait3A_101, %dma_wait3A_102] : memref<2x10240x16xf32, #tpu.memory_space<hbm>> -> memref<1x10240x16xf32, #tpu.memory_space<hbm>>
      %dma_wait3A_104 = tpu.memref_squeeze %dma_wait3A_103 : memref<1x10240x16xf32, #tpu.memory_space<hbm>> -> memref<10240x16xf32, #tpu.memory_space<hbm>>
      %dma_wait3A_105 = arith.constant 0 : i32
      %dma_wait3A_106 = tpu.memref_slice %dma_wait3A_104[%mul3A_2, %dma_wait3A_105] : memref<10240x16xf32, #tpu.memory_space<hbm>> -> memref<640x16xf32, #tpu.memory_space<hbm>>
      %dma_wait3A_107 = arith.constant 0 : i32
      %dma_wait3A_108 = tpu.memref_slice %arg22[%mul3A_2, %dma_wait3A_107] : memref<10240x16xf32, #tpu.memory_space<vmem_shared>> -> memref<640x16xf32, #tpu.memory_space<vmem_shared>>
      tpu.wait_dma2 semaphore(%run_scoped3A : memref<!tpu.dma_semaphore, #tpu.memory_space<semaphore_mem>>) src(%dma_wait3A_108 : memref<640x16xf32, #tpu.memory_space<vmem_shared>>) dst(%dma_wait3A_106 : memref<640x16xf32, #tpu.memory_space<hbm>>)
      tpu.yield
    }) : () -> ()
    "tpu.region"() ({
      %run_scoped3A = tpu.sem_alloc : memref<!tpu.dma_semaphore, #tpu.memory_space<semaphore_mem>>
      %dma_start3A_93 = arith.constant 0 : i32
      %dma_start3A_94 = tpu.memref_slice %arg12[%arg0, %dma_start3A_93] : memref<2x10240xf32, #tpu.memory_space<hbm>> -> memref<1x10240xf32, #tpu.memory_space<hbm>>
      %dma_start3A_95 = tpu.memref_squeeze %dma_start3A_94 : memref<1x10240xf32, #tpu.memory_space<hbm>> -> memref<10240xf32, #tpu.memory_space<hbm>>
      %dma_start3A_96 = tpu.memref_slice %dma_start3A_95[%mul3A_2] : memref<10240xf32, #tpu.memory_space<hbm>> -> memref<640xf32, #tpu.memory_space<hbm>>
      %dma_start3A_97 = tpu.memref_slice %arg23[%mul3A_2] : memref<10240xf32, #tpu.memory_space<vmem_shared>> -> memref<640xf32, #tpu.memory_space<vmem_shared>>
      tpu.enqueue_dma source(%dma_start3A_97 : memref<640xf32, #tpu.memory_space<vmem_shared>>) target(%dma_start3A_96 : memref<640xf32, #tpu.memory_space<hbm>>) target_semaphore(%run_scoped3A : memref<!tpu.dma_semaphore, #tpu.memory_space<semaphore_mem>>)
      %dma_wait3A_98 = arith.constant 0 : i32
      %dma_wait3A_99 = tpu.memref_slice %arg12[%arg0, %dma_wait3A_98] : memref<2x10240xf32, #tpu.memory_space<hbm>> -> memref<1x10240xf32, #tpu.memory_space<hbm>>
      %dma_wait3A_100 = tpu.memref_squeeze %dma_wait3A_99 : memref<1x10240xf32, #tpu.memory_space<hbm>> -> memref<10240xf32, #tpu.memory_space<hbm>>
      %dma_wait3A_101 = tpu.memref_slice %dma_wait3A_100[%mul3A_2] : memref<10240xf32, #tpu.memory_space<hbm>> -> memref<640xf32, #tpu.memory_space<hbm>>
      %dma_wait3A_102 = tpu.memref_slice %arg23[%mul3A_2] : memref<10240xf32, #tpu.memory_space<vmem_shared>> -> memref<640xf32, #tpu.memory_space<vmem_shared>>
      tpu.wait_dma2 semaphore(%run_scoped3A : memref<!tpu.dma_semaphore, #tpu.memory_space<semaphore_mem>>) src(%dma_wait3A_102 : memref<640xf32, #tpu.memory_space<vmem_shared>>) dst(%dma_wait3A_101 : memref<640xf32, #tpu.memory_space<hbm>>)
      tpu.yield
    }) : () -> ()
    return
  }
}

module attributes {stable_mosaic.version = 14 : i64} {
  func.func @tc_kernel(%arg0: i32, %arg1: memref<2048x128xf32, #tpu.memory_space<vmem>>, %arg2: memref<128x256xf32, #tpu.memory_space<vmem>>, %arg3: memref<1x256xf32, #tpu.memory_space<vmem>>, %arg4: memref<16x128xf32, #tpu.memory_space<vmem>>, %arg5: memref<1x128xf32, #tpu.memory_space<vmem>>, %arg6: memref<2x2048x128xf32, #tpu.memory_space<vmem>>, %arg7: memref<2x2048x16xf32, #tpu.memory_space<vmem>>, %arg8: memref<2x2048xf32, #tpu.memory_space<vmem>>, %arg9: memref<2048x128xf32, #tpu.memory_space<vmem>>) attributes {dimension_semantics = [#tpu.dimension_semantics<arbitrary>], iteration_bounds = array<i64: 5>, scalar_prefetch = 0 : i64, scratch_operands = 0 : i64, tpu.core_type = #tpu.core_type<tc>, window_params = [{transform_indices = @transform_0, window_bounds = array<i64: 2048, 128>}, {pipeline_mode = #tpu.pipeline_mode<synchronous>, transform_indices = @transform_1, window_bounds = array<i64: 128, 256>}, {pipeline_mode = #tpu.pipeline_mode<synchronous>, transform_indices = @transform_2, window_bounds = array<i64: 1, 256>}, {pipeline_mode = #tpu.pipeline_mode<synchronous>, transform_indices = @transform_3, window_bounds = array<i64: 16, 128>}, {pipeline_mode = #tpu.pipeline_mode<synchronous>, transform_indices = @transform_4, window_bounds = array<i64: 1, 128>}, {transform_indices = @transform_5, window_bounds = array<i64: 2, 2048, 128>}, {transform_indices = @transform_6, window_bounds = array<i64: 2, 2048, 16>}, {transform_indices = @transform_7, window_bounds = array<i64: 2, 2048>}, {transform_indices = @transform_8, window_bounds = array<i64: 2048, 128>}]} {
    %get3A = arith.constant 0 : index
    %get3A_0 = arith.constant 0 : index
    %get3A_1 = vector.load %arg2[%get3A, %get3A_0] : memref<128x256xf32, #tpu.memory_space<vmem>>, vector<128x256xf32>
    %get3A_2 = arith.constant 0 : index
    %get3A_3 = arith.constant 0 : index
    %get3A_4 = vector.load %arg1[%get3A_2, %get3A_3] : memref<2048x128xf32, #tpu.memory_space<vmem>>, vector<2048x128xf32>
    %slice3A = vector.extract_strided_slice %get3A_1 {offsets = [0, 0], sizes = [128, 128], strides = [1, 1]} : vector<128x256xf32> to vector<128x128xf32>
    %dot_general3A = arith.constant dense<0.000000e+00> : vector<2048x128xf32>
    %dot_general3A_5 = tpu.matmul %get3A_4, %slice3A, %dot_general3A {dimension_numbers = #tpu.dot_dimension_numbers<[1], [0], [0], [1], [0, 0, 1, 1], [], []>, transpose_lhs_hint = false} : vector<2048x128xf32>, vector<128x128xf32>, vector<2048x128xf32> -> vector<2048x128xf32>
    %get3A_6 = arith.constant 0 : index
    %get3A_7 = arith.constant 0 : index
    %get3A_8 = arith.constant 0 : index
    %get3A_9 = vector.load %arg6[%get3A_6, %get3A_7, %get3A_8] : memref<2x2048x128xf32, #tpu.memory_space<vmem>>, vector<1x2048x128xf32>
    %get3A_10 = vector.shape_cast %get3A_9 : vector<1x2048x128xf32> to vector<2048x128xf32>
    %get3A_11 = arith.constant 1 : index
    %get3A_12 = arith.constant 0 : index
    %get3A_13 = arith.constant 0 : index
    %get3A_14 = vector.load %arg6[%get3A_11, %get3A_12, %get3A_13] : memref<2x2048x128xf32, #tpu.memory_space<vmem>>, vector<1x2048x128xf32>
    %get3A_15 = vector.shape_cast %get3A_14 : vector<1x2048x128xf32> to vector<2048x128xf32>
    %add3A = arith.addf %get3A_10, %get3A_15 : vector<2048x128xf32>
    %get3A_16 = arith.constant 0 : index
    %get3A_17 = arith.constant 0 : index
    %get3A_18 = arith.constant 0 : index
    %get3A_19 = vector.load %arg7[%get3A_16, %get3A_17, %get3A_18] : memref<2x2048x16xf32, #tpu.memory_space<vmem>>, vector<1x2048x16xf32>
    %get3A_20 = vector.shape_cast %get3A_19 : vector<1x2048x16xf32> to vector<2048x16xf32>
    %get3A_21 = arith.constant 1 : index
    %get3A_22 = arith.constant 0 : index
    %get3A_23 = arith.constant 0 : index
    %get3A_24 = vector.load %arg7[%get3A_21, %get3A_22, %get3A_23] : memref<2x2048x16xf32, #tpu.memory_space<vmem>>, vector<1x2048x16xf32>
    %get3A_25 = vector.shape_cast %get3A_24 : vector<1x2048x16xf32> to vector<2048x16xf32>
    %add3A_26 = arith.addf %get3A_20, %get3A_25 : vector<2048x16xf32>
    %get3A_27 = arith.constant 0 : index
    %get3A_28 = arith.constant 0 : index
    %get3A_29 = vector.load %arg8[%get3A_27, %get3A_28] : memref<2x2048xf32, #tpu.memory_space<vmem>>, vector<1x2048xf32>
    %get3A_30 = vector.shape_cast %get3A_29 : vector<1x2048xf32> to vector<2048xf32>
    %get3A_31 = arith.constant 1 : index
    %get3A_32 = arith.constant 0 : index
    %get3A_33 = vector.load %arg8[%get3A_31, %get3A_32] : memref<2x2048xf32, #tpu.memory_space<vmem>>, vector<1x2048xf32>
    %get3A_34 = vector.shape_cast %get3A_33 : vector<1x2048xf32> to vector<2048xf32>
    %add3A_35 = arith.addf %get3A_30, %get3A_34 : vector<2048xf32>
    %broadcast_in_dim3A = vector.shape_cast %add3A_35 : vector<2048xf32> to vector<2048x1xf32>
    %slice3A_36 = vector.extract_strided_slice %get3A_1 {offsets = [0, 128], sizes = [128, 128], strides = [1, 1]} : vector<128x256xf32> to vector<128x128xf32>
    %dot_general3A_37 = arith.constant dense<0.000000e+00> : vector<2048x128xf32>
    %dot_general3A_38 = tpu.matmul %add3A, %slice3A_36, %dot_general3A_37 {dimension_numbers = #tpu.dot_dimension_numbers<[1], [0], [0], [1], [0, 0, 1, 1], [], []>, transpose_lhs_hint = false} : vector<2048x128xf32>, vector<128x128xf32>, vector<2048x128xf32> -> vector<2048x128xf32>
    %get3A_39 = arith.constant 0 : index
    %get3A_40 = arith.constant 0 : index
    %get3A_41 = vector.load %arg4[%get3A_39, %get3A_40] : memref<16x128xf32, #tpu.memory_space<vmem>>, vector<16x128xf32>
    %dot_general3A_42 = arith.constant dense<0.000000e+00> : vector<2048x128xf32>
    %dot_general3A_43 = tpu.matmul %add3A_26, %get3A_41, %dot_general3A_42 {dimension_numbers = #tpu.dot_dimension_numbers<[1], [0], [0], [1], [0, 0, 1, 1], [], []>, transpose_lhs_hint = false} : vector<2048x16xf32>, vector<16x128xf32>, vector<2048x128xf32> -> vector<2048x128xf32>
    %add3A_44 = arith.addf %dot_general3A_38, %dot_general3A_43 : vector<2048x128xf32>
    %get3A_45 = arith.constant 0 : index
    %get3A_46 = arith.constant 128 : index
    %get3A_47 = vector.load %arg3[%get3A_45, %get3A_46] : memref<1x256xf32, #tpu.memory_space<vmem>>, vector<1x128xf32>
    %get3A_48 = arith.constant 0 : index
    %get3A_49 = arith.constant 0 : index
    %get3A_50 = vector.load %arg5[%get3A_48, %get3A_49] : memref<1x128xf32, #tpu.memory_space<vmem>>, vector<1x128xf32>
    %add3A_51 = arith.addf %get3A_47, %get3A_50 : vector<1x128xf32>
    %mul3A = vector.broadcast %broadcast_in_dim3A : vector<2048x1xf32> to vector<2048x128xf32>
    %mul3A_52 = vector.broadcast %add3A_51 : vector<1x128xf32> to vector<2048x128xf32>
    %mul3A_53 = arith.mulf %mul3A, %mul3A_52 : vector<2048x128xf32>
    %add3A_54 = arith.addf %add3A_44, %mul3A_53 : vector<2048x128xf32>
    %get3A_55 = arith.constant 0 : index
    %get3A_56 = arith.constant 0 : index
    %get3A_57 = vector.load %arg3[%get3A_55, %get3A_56] : memref<1x256xf32, #tpu.memory_space<vmem>>, vector<1x128xf32>
    %add3A_58 = vector.broadcast %get3A_57 : vector<1x128xf32> to vector<2048x128xf32>
    %add3A_59 = arith.addf %dot_general3A_5, %add3A_58 : vector<2048x128xf32>
    %add3A_60 = arith.constant 9.99999997E-7 : f32
    %add3A_61 = vector.broadcast %add3A_60 : f32 to vector<2048x1xf32>
    %add3A_62 = arith.addf %broadcast_in_dim3A, %add3A_61 : vector<2048x1xf32>
    %div3A = vector.broadcast %add3A_62 : vector<2048x1xf32> to vector<2048x128xf32>
    %div3A_63 = arith.divf %add3A_54, %div3A : vector<2048x128xf32>
    %add3A_64 = arith.addf %add3A_59, %div3A_63 : vector<2048x128xf32>
    %swap3A = arith.constant 0 : index
    %swap3A_65 = arith.constant 0 : index
    %swap3A_66 = vector.load %arg9[%swap3A, %swap3A_65] : memref<2048x128xf32, #tpu.memory_space<vmem>>, vector<2048x128xf32>
    tpu.vector_store %arg9[%swap3A, %swap3A_65], %add3A_64 {strides = array<i32>} : memref<2048x128xf32, #tpu.memory_space<vmem>>, vector<2048x128xf32>,
    return
  }
  func.func @transform_0(%arg0: i32) -> (i32, i32) {
    %c0_i32 = arith.constant 0 : i32
    %c0_i32_0 = arith.constant 0 : i32
    return %arg0, %c0_i32 : i32, i32
  }
  func.func @transform_1(%arg0: i32) -> (i32, i32) {
    %c0_i32 = arith.constant 0 : i32
    %c0_i32_0 = arith.constant 0 : i32
    %c0_i32_1 = arith.constant 0 : i32
    return %c0_i32, %c0_i32_0 : i32, i32
  }
  func.func @transform_2(%arg0: i32) -> (i32, i32) {
    %c0_i32 = arith.constant 0 : i32
    %c0_i32_0 = arith.constant 0 : i32
    %c0_i32_1 = arith.constant 0 : i32
    return %c0_i32, %c0_i32_0 : i32, i32
  }
  func.func @transform_3(%arg0: i32) -> (i32, i32) {
    %c0_i32 = arith.constant 0 : i32
    %c0_i32_0 = arith.constant 0 : i32
    %c0_i32_1 = arith.constant 0 : i32
    return %c0_i32, %c0_i32_0 : i32, i32
  }
  func.func @transform_4(%arg0: i32) -> (i32, i32) {
    %c0_i32 = arith.constant 0 : i32
    %c0_i32_0 = arith.constant 0 : i32
    %c0_i32_1 = arith.constant 0 : i32
    return %c0_i32, %c0_i32_0 : i32, i32
  }
  func.func @transform_5(%arg0: i32) -> (i32, i32, i32) {
    %c0_i32 = arith.constant 0 : i32
    %c0_i32_0 = arith.constant 0 : i32
    %c0_i32_1 = arith.constant 0 : i32
    return %c0_i32, %arg0, %c0_i32_0 : i32, i32, i32
  }
  func.func @transform_6(%arg0: i32) -> (i32, i32, i32) {
    %c0_i32 = arith.constant 0 : i32
    %c0_i32_0 = arith.constant 0 : i32
    %c0_i32_1 = arith.constant 0 : i32
    return %c0_i32, %arg0, %c0_i32_0 : i32, i32, i32
  }
  func.func @transform_7(%arg0: i32) -> (i32, i32) {
    %c0_i32 = arith.constant 0 : i32
    %c0_i32_0 = arith.constant 0 : i32
    return %c0_i32, %arg0 : i32, i32
  }
  func.func @transform_8(%arg0: i32) -> (i32, i32) {
    %c0_i32 = arith.constant 0 : i32
    %c0_i32_0 = arith.constant 0 : i32
    return %arg0, %c0_i32 : i32, i32
  }
}

</mosaic_0001>

<sc_bundles>
// kernel: kernel.4.cloned.1.call-start
scs
__scs_entry_jumppad:
0x0: {  	(pc) =	sbr.rel $0x88, $3  }
0x1: {  	(tag) =	ssettag $0x0;
	lr =	simm.s32 $0x1  }
0x2: {  	[smem:$0x3F99] =	sst lr;
	_ =	strace $0xD0000000  }
0x3: {  	_ = 	snop  }
0x4: {  	_ = 	snop  }
0x5: {  	_ = 	snop  }
0x6: {  	_ = 	snop  }
0x7: {  	_ = 	snop  }
__scs_overlays_trampoline_lowered:
0x8: {  	[smem:$0x3FA8] =	sst s0  }
0x9: {  	[smem:$0x3FA9] =	sst s1  }
0xa: {  	[smem:$0x3FAA] =	sst s2  }
0xb: {  	[smem:$0x3FAB] =	sst s3  }
0xc: {  	[smem:$0x3FAC] =	sst s4  }
0xd: {  	[smem:$0x3FAD] =	sst s5  }
0xe: {  	[smem:$0x3FAE] =	sst s6  }
0xf: {  	[smem:$0x3FAF] =	sst s7  }
0x10: {  	[smem:$0x3FB0] =	sst s8  }
0x11: {  	[smem:$0x3FB1] =	sst s9;
	s0 =	simm.s32 @!p0 $0x0  }
0x12: {  	s1 =	sld [smem:$0x3F97];
	s0 =	simm.s32 @p0 $0x1  }
0x13: {  	[smem:$0x3FB2] =	sst s0;
	s0 =	simm.s32 @!p1 $0x0  }
0x14: {  	s2 =	sld [smem:$0x3F96];
	s0 =	simm.s32 @p1 $0x1  }
0x15: {  	[smem:$0x3FB3] =	sst s0;
	s0 =	simm.s32 @!p2 $0x0  }
0x16: {  	s3 =	sld [smem:$0x3FDB];
	s0 =	simm.s32 @p2 $0x1  }
0x17: {  	s4 =	simm.s32 $0x1BF5;
	[smem:$0x3FB5] =	sst s0  }
0x18: {  	s0 =	sld [smem:$0x3F98];
	_ =	swait.ge [sflag:s4], $0x0  }
0x19: {  	s7 =	sld [smem:$0x3F99]  }
0x1a: {  	s8 =	sadd.s32 $0xFFFFE003, lr  }
0x1b: {  	s9 =	sadd.s32 $0xFFFFFEF7, lr;
	s5 =	simm.s32 $0xFFFFFFFF;
	p2 =	slt.u32 s8, $0xFFFFF086  }
0x1c: {  	p1 =	slt.u32 s9, $0xF7A;
	s5 =	simm.s32 @!p2 $0x0  }
0x1d: {  	s5 =	simm.s32 @p1 $0x1;
	p0 =	seq.s32 s7, s2  }
0x1e: {  	s7 =	smul.u32 @!p0 $0xF7A, s2;
	p2 =	seq.s32 @!p0 s5, $0x0  }
0x1f: {  	s9 =	smul.u32 $0xF7A, s1;
	s8 =	simm.s32 @!p0 $0x1BF5;
	p2 =	por !p2, p0  }
0x20: {  	[sflag:s8] =	ssyncset.s32 @!p0 $0xFFFFF086;
	s6 =	sadd.s32 @!p0 s3, s7;
	s7 =	simm.s32 @!p0 $0x108  }
0x21: {  	s3 =	sadd.s32 s3, s9;
	s6 =	sadd.s32 @!p0 $0x88, s6;
	s7 =	simm.s32 @p2 $0x1082  }
0x22: {  	[simem:s7], [sflag:s8] =	dma.local @!p0 [hbm:s6], $0xF7A  }
0x23: {  	s9 =	sor.u32 $0xD0000000, s2;
	s6 =	simm.s32 $0x108;
	_ =	swait.ge @!p0 [sflag:s8], $0x0  }
0x24: {  	s3 =	sadd.s32 $0x88, s3;
	s6 =	simm.s32 @!p1 $0x1082;
	[sflag:s4] =	ssyncset.s32 $0xFFFFF086  }
0x25: {  	[simem:s6], [sflag:s4] =	dma.local [hbm:s3], $0xF7A  }
0x26: {  	[smem:$0x3F99] =	sst s1;
	(tag) =	ssettag s2;
	_ =	strace s9  }
0x27: {  	s1 =	sld [smem:$0x3FA9]  }
0x28: {  	s2 =	sld [smem:$0x3FAA]  }
0x29: {  	s4 =	sld [smem:$0x3FAC]  }
0x2a: {  	p0 =	seq.s32 s5, $0x0;
	s5 =	sld [smem:$0x3FAD]  }
0x2b: {  	s6 =	sld [smem:$0x3FAE]  }
0x2c: {  	s7 =	sld [smem:$0x3FAF]  }
0x2d: {  	s3 =	simm.s32 $0x108;
	s8 =	sld [smem:$0x3FB0]  }
0x2e: {  	s3 =	simm.s32 @!p0 $0x1082;
	s9 =	sld [smem:$0x3FB1]  }
0x2f: {  	lr =	sadd.s32 s0, s3;
	s0 =	sld [smem:$0x3FA8]  }
0x30: {  	s3 =	sld [smem:$0x3FAB]  }
0x31: {  	[smem:$0x3FB4] =	sst s10  }
0x32: {  	s10 =	sld [smem:$0x3FB2];
	_ =	sdelay $0x3  }
0x33: {  	p0 =	seq.s32 s10, $0x1;
	s10 =	sld [smem:$0x3FB4];
	_ =	sdelay $0x3  }
0x34: {  	[smem:$0x3FB4] =	sst s10  }
0x35: {  	s10 =	sld [smem:$0x3FB3];
	_ =	sdelay $0x3  }
0x36: {  	p1 =	seq.s32 s10, $0x1;
	s10 =	sld [smem:$0x3FB4];
	_ =	sdelay $0x3  }
0x37: {  	[smem:$0x3FB4] =	sst s10  }
0x38: {  	s10 =	sld [smem:$0x3FB5]  }
0x39: {  	_ = 	snop;
	(pc) =	sbr.ind lr, $3  }
0x3a: {  	_ = 	snop  }
0x3b: {  	_ = 	snop  }
0x3c: {  	p2 =	seq.s32 s10, $0x1;
	s10 =	sld [smem:$0x3FB4]  }
0x3d: {  	_ =	shalt  }
0x3e: {  	_ =	shalt  }
0x3f: {  	_ =	shalt  }
0x40: {  	_ =	shalt  }
0x41: {  	_ =	shalt  }
0x42: {  	_ =	shalt  }
0x43: {  	_ =	shalt  }
0x44: {  	_ =	shalt  }
0x45: {  	_ =	shalt  }
0x46: {  	_ =	shalt  }
0x47: {  	_ =	shalt  }
0x48: {  	_ =	shalt  }
0x49: {  	_ =	shalt  }
0x4a: {  	_ =	shalt  }
0x4b: {  	_ =	shalt  }
0x4c: {  	_ =	shalt  }
0x4d: {  	_ =	shalt  }
0x4e: {  	_ =	shalt  }
0x4f: {  	_ =	shalt  }
0x50: {  	_ =	shalt  }
0x51: {  	_ =	shalt  }
0x52: {  	_ =	shalt  }
0x53: {  	_ =	shalt  }
0x54: {  	_ =	shalt  }
0x55: {  	_ =	shalt  }
0x56: {  	_ =	shalt  }
0x57: {  	_ =	shalt  }
0x58: {  	_ =	shalt  }
0x59: {  	_ =	shalt  }
0x5a: {  	_ =	shalt  }
0x5b: {  	_ =	shalt  }
0x5c: {  	_ =	shalt  }
0x5d: {  	_ =	shalt  }
0x5e: {  	_ =	shalt  }
0x5f: {  	_ =	shalt  }
0x60: {  	_ =	shalt  }
0x61: {  	_ =	shalt  }
0x62: {  	_ =	shalt  }
0x63: {  	_ =	shalt  }
0x64: {  	_ =	shalt  }
0x65: {  	_ =	shalt  }
0x66: {  	_ =	shalt  }
0x67: {  	_ =	shalt  }
0x68: {  	_ =	shalt  }
0x69: {  	_ =	shalt  }
0x6a: {  	_ =	shalt  }
0x6b: {  	_ =	shalt  }
0x6c: {  	_ =	shalt  }
0x6d: {  	_ =	shalt  }
0x6e: {  	_ =	shalt  }
0x6f: {  	_ =	shalt  }
0x70: {  	_ =	shalt  }
0x71: {  	_ =	shalt  }
0x72: {  	_ =	shalt  }
0x73: {  	_ =	shalt  }
0x74: {  	_ =	shalt  }
0x75: {  	_ =	shalt  }
0x76: {  	_ =	shalt  }
0x77: {  	_ =	shalt  }
0x78: {  	_ =	shalt  }
0x79: {  	_ =	shalt  }
0x7a: {  	_ =	shalt  }
0x7b: {  	_ =	shalt  }
0x7c: {  	_ =	shalt  }
0x7d: {  	_ =	shalt  }
0x7e: {  	_ =	shalt  }
0x7f: {  	_ =	shalt  }
0x80: {  	_ =	shalt  }
0x81: {  	_ =	shalt  }
0x82: {  	_ =	shalt  }
0x83: {  	_ =	shalt  }
0x84: {  	_ =	shalt  }
0x85: {  	_ =	shalt  }
0x86: {  	_ =	shalt  }
0x87: {  	_ =	shalt  }
.Lfunc_end0:
.L_simem_size_0:
called_computation_lowered:
.L_overlay_start_0:
0x88: {  	s2 =	sld [smem:$0x3FD9]  }
0x89: {  	s3 =	sld [smem:$0x3FFE];
	_ =	sdelay $0x1  }
0x8a: {  	s1 =	srdreg.scid  }
0x8b: {  	s0 =	sand.u32 $0x1, s1  }
0x8c: {  	s17 =	sshll.u32 s0, $0xA;
	s2 =	sadd.s32 s3, s2  }
0x8d: {  	s2 =	sadd.s32 s2, s17  }
0x8e: {  	[smem:$0x3FC0] =	sst s2  }
0x8f: {  	_ = 	snop  }
0x90: {  	s2 =	sld [smem:$0x3FC9]  }
0x91: {  	s18 =	sld [smem:$0x3FC8]  }
0x92: {  	s4 =	sld [smem:$0x3FC7]  }
0x93: {  	s5 =	sld [smem:$0x3FD0];
	(tm) =	ssettm $0x1  }
0x94: {  	s6 =	sld [smem:$0x3FFB];
	_ =	sdelay $0x3  }
0x95: {  	_ =	strace s6  }
0x96: {  	s6 =	sld [smem:$0x3FFC];
	_ =	sdelay $0x3  }
0x97: {  	_ =	strace s6  }
0x98: {  	s6 =	sld [smem:$0x3FFD];
	_ =	sdelay $0x3  }
0x99: {  	_ =	strace s6  }
0x9a: {  	_ =	strace $0x8FFFFFFF  }
0x9b: {  	s19 =	sld [smem:$0x3FDB];
	_ =	sdelay $0x1  }
0x9c: {  	s7 =	simm.s32 $_scs_section_size  }
0x9d: {  	s8 =	simm.s32 $_size__tile_overlayer_lowered;
	s9 =	simm.s32 $_tile_overlayer_lowered  }
0x9e: {  	s22 =	simm.s32 $0x1BFF;
	s21 =	sshll.u32 s9, $0x1;
	s6 =	sadd.s32 s7, s19  }
0x9f: {  	s10 =	simm.s32 $0x0;
	s20 =	sshll.u32 s8, $0x1;
	s8 =	sadd.s32 s21, s6  }
0xa0: {  	[timem:s10], [sflag:s22] =	dma.local [hbm:s8], s20  }
0xa1: {  	_ =	swait.ge [sflag:s22], s20  }
0xa2: {  	s7 =	ssub.s32 $0x0, s20;
	[sflag:s22] =	ssyncset.done $0x0  }
0xa3: {  	[sflag:s22] =	ssyncadd.s32 s7;
	_ =	sdelay $0x1  }
0xa4: {  	s23 =	simm.s32 $0x1B8B  }
0xa5: {  	_ =	swait.ge [sflag:s23], $0x1  }
0xa6: {  	[sflag:s23] =	ssyncset.done $0x0  }
0xa7: {  	s25 =	simm.s32 $0x1B8E;
	s24 =	sld [smem:$0x3FFE];
	[sflag:s23] =	ssyncadd.s32 $0xFFFFFFFF  }
0xa8: {  	s26 =	simm.s32 $execute0_lowered;
	[smem:$0x3FD2] =	sst s25  }
0xa9: {  	s8 =	sshll.u32 s26, $0x1;
	_ =	strace $0x80000046;
	[dreg:$0x1] =	wrdreg $0xFFFFFFFF  }
0xaa: {  	s28 =	simm.s32 $_size_execute0_lowered;
	s6 =	sadd.s32 s6, s8;
	[dreg:$0x0] =	wrdreg $0x0  }
0xab: {  	s8 =	sshll.u32 s28, $0x1;
	[dreg:$0x2] =	wrdreg s6  }
0xac: {  	[dreg:$0x3] =	wrdreg s8  }
0xad: {  	[dreg:$0x4] =	wrdreg $0xC0  }
0xae: {  	_ =	task [dreg:s10], $0x5FFFF  }
0xaf: {  	[dreg:$0x1] =	wrdreg $0xFFFFFFFF  }
0xb0: {  	[dreg:$0x0] =	wrdreg $0x60  }
0xb1: {  	[dreg:$0x2] =	wrdreg s2  }
0xb2: {  	[dreg:$0x3] =	wrdreg s18  }
0xb3: {  	[dreg:$0x4] =	wrdreg s4  }
0xb4: {  	[dreg:$0x5] =	wrdreg s24  }
0xb5: {  	[dreg:$0x6] =	wrdreg s5  }
0xb6: {  	[dreg:$0x7] =	wrdreg $0x82000  }
0xb7: {  	[dreg:$0x8] =	wrdreg $0x1C2000  }
0xb8: {  	[dreg:$0x9] =	wrdreg $0x1EA000  }
0xb9: {  	[dreg:$0xa] =	wrdreg $0x9  }
0xba: {  	_ =	task.clear_ibuf [dreg:s10], $0xBFFFF;
	_ =	strace $0x90000046  }
0xbb: {  	s29 =	simm.s32 $0x9;
	_ =	strace $0x80000048  }
0xbc: {  	_ =	swait.ge [sflag:s29], $0x1  }
0xbd: {  	[sflag:s29] =	ssyncadd.s32 $0xFFFFFFFF  }
0xbe: {  	_ =	strace $0x90000048  }
0xbf: {  	_ =	sfence  }
0xc0: {  	s30 =	sld [smem:$0x0];
	_ =	sdelay $0x2  }
0xc1: {  	s31 =	sshll.u32 s1, $0xD;
	s1 =	sshrl.u32 s1, $0x2  }
0xc2: {  	s3 =	sand.u32 $0x4000, s31;
	s1 =	sadd.s32 s1, s30  }
0xc3: {  	s0 =	sor.u32 s3, s0;
	s1 =	sshll.u32 s1, $0x11  }
0xc4: {  	s0 =	sor.u32 s1, s0  }
0xc5: {  	s0 =	sadd.s32 $0x8F2B, s0  }
0xc6: {  	[sflag:s0] =	ssyncadd.remote.s32 $0x1  }
0xc7: {  	_ =	sfence.sel $0xFFFF  }
0xc8: {  	[dreg:$0x0] =	wrdreg $0xFFFFFFFF;
	(pc) =	sbr.abs _section_cstart, $3  }
0xc9: {  	[dreg:$0x1] =	wrdreg $0xFFFFFFFF  }
0xca: {  	_ =	task.clear_ibuf [dreg:s10], $0x2FFFF;
	_ =	strace $0x9FFFFFFF  }
0xcb: {  	(tm) =	ssettm $0x7FFFFFFF  }
tec
execute0_lowered:
.L_overlay_start_1:
0x0: {  	(tag) =	ssettag $0x1  }
0x1: {  	s0 =	rddreg [dreg:$0x0]  }
0x2: {  	s7 =	rddreg [dreg:$0x1]  }
0x3: {  	s8 =	rddreg [dreg:$0x2]  }
0x4: {  	s1 =	rddreg [dreg:$0x3]  }
0x5: {  	s9 =	rddreg [dreg:$0x4]  }
0x6: {  	s2 =	rddreg [dreg:$0x5]  }
0x7: {  	s3 =	rddreg [dreg:$0x6]  }
0x8: {  	s4 =	rddreg [dreg:$0x7];
	s5 =	simm.s32 $0x0;
	s6 =	srdreg.scid  }
0x9: {  	s18 =	stileid.u32;
	s28 =	simm.s32 $0x7;
	s29 =	simm.s32 $0x77B0  }
0xa: {  	s30 =	simm.s32 $0x81B0;
	s31 =	simm.s32 $0x2710;
	s26 =	sand.u32 $0x1, s6  }
0xb: {  	[smem:$0x7FF] =	sst s5;
	s11 =	sadd.s32 $0x1C00, s1;
	s6 =	smul.u32 $0x28000, s26  }
0xc: {  	s13 =	sadd.s32 $0x2200, s1;
	s14 =	sadd.s32 $0x2600, s1;
	s16 =	smul.u32 $0x500, s26  }
0xd: {  	_ =	strace $0x80000047;
	[dreg:$0x9] =	wrdreg s11;
	s15 =	smul.u32 $0x27100, s26  }
0xe: {  	s17 =	sadd.s32 $0x2400, s1;
	[dreg:$0xa] =	wrdreg s13;
	s23 =	smul.u32 $0x5000, s26  }
0xf: {  	s12 =	sshll.u32 s26, $0x4;
	[dreg:$0xb] =	wrdreg s14;
	s11 =	smul.u32 $0x4E200, s26  }
0x10: {  	s19 =	ssub.s32 $0x2, s26;
	s26 =	smul.u32 $0x4E20, s18;
	s12 =	sor.u32 s18, s12  }
0x11: {  	s10 =	sadd.s32 $0x4E3C00, s1;
	[dreg:$0xc] =	wrdreg s17;
	s12 =	smul.u32 $0x2710, s12  }
0x12: {  	s20 =	sshrl.u32 s19, $0x1;
	s13 =	sadd.s32 s16, s1;
	s16 =	smul.u32 $0x2710, s18  }
0x13: {  	s14 =	sadd.s32 s6, s1;
	s1 =	ssub.s32 s19, s20;
	s6 =	smul.u32 $0x280, s18  }
0x14: {  	s9 =	sadd.s32 s9, s23;
	s19 =	smul.u32 $0x2800, s18;
	s20 =	sadd.s32 $0x3200, s14  }
0x15: {  	s1 =	smax.u32 s1, $0x1;
	s17 =	sshrl.u32 s12, $0x3;
	s21 =	sadd.s32 $0x26C0, s12  }
0x16: {  	s12 =	sadd.s32 s16, s15;
	s16 =	smul.u32 $0x14000, s18;
	s23 =	sshrl.u32 s19, $0x3  }
0x17: {  	[smem:$0x7FD] =	sst s1;
	s1 =	simm.s32 $0x50;
	s7 =	sadd.s32 s7, s17  }
0x18: {  	s22 =	sshll.u32 s21, $0x1;
	s24 =	sadd.s32 $0x50, s12;
	s12 =	sshrl.u32 s12, $0x3  }
0x19: {  	[dreg:$0xd] =	wrdreg s7;
	s15 =	sadd.s32 s10, s22;
	s25 =	sshll.u32 s24, $0x1  }
0x1a: {  	s7 =	sshrl.u32 s21, $0x3;
	s21 =	sshrl.u32 s24, $0x3;
	s22 =	sshrl.u32 s16, $0x3  }
0x1b: {  	s18 =	sadd.s32 s16, s2;
	s24 =	sadd.s32 $0x2800, s13;
	[dreg:$0xe] =	wrdreg s15  }
0x1c: {  	s15 =	sadd.s32 s25, s10;
	s10 =	sadd.s32 s11, s10;
	s7 =	sadd.s32 s8, s7  }
0x1d: {  	s14 =	sadd.s32 s21, s8;
	s8 =	sadd.s32 s12, s8;
	[dreg:$0xf] =	wrdreg s15  }
0x1e: {  	s25 =	sshrl.u32 s6, $0x3;
	s21 =	sadd.s32 s19, s3;
	[dreg:$0x11] =	wrdreg s7  }
0x1f: {  	s12 =	sadd.s32 $0xA0, s6;
	s10 =	sadd.s32 s26, s10;
	[dreg:$0x12] =	wrdreg s8  }
0x20: {  	s7 =	sadd.s32 s22, s20;
	s26 =	sor.u32 $0x50, s6;
	s15 =	sshll.u32 s12, $0x7  }
0x21: {  	s17 =	sshll.u32 s12, $0x4;
	s19 =	sadd.s32 s12, s4;
	[dreg:$0x10] =	wrdreg s10  }
0x22: {  	s20 =	sadd.s32 $0xF0, s6;
	s12 =	sadd.s32 $0x190, s6;
	[dreg:$0x13] =	wrdreg s7  }
0x23: {  	s7 =	sadd.s32 s23, s9;
	s10 =	sshll.u32 s26, $0x7;
	[dreg:$0x1b] =	wrdreg s19  }
0x24: {  	s11 =	sshll.u32 s26, $0x4;
	s16 =	sadd.s32 s15, s2;
	[dreg:$0x14] =	wrdreg s7  }
0x25: {  	s22 =	sshll.u32 s20, $0x7;
	s7 =	sadd.s32 s25, s24;
	[dreg:$0x19] =	wrdreg s16  }
0x26: {  	s23 =	sshll.u32 s20, $0x4;
	s8 =	sadd.s32 s10, s2;
	[dreg:$0x15] =	wrdreg s7  }
0x27: {  	s15 =	sshll.u32 s12, $0x4;
	s13 =	sadd.s32 s11, s3;
	[dreg:$0x16] =	wrdreg s8  }
0x28: {  	s24 =	sadd.s32 $0x140, s6;
	s25 =	sadd.s32 s23, s3;
	[dreg:$0x17] =	wrdreg s13  }
0x29: {  	s16 =	sadd.s32 $0x1E0, s6;
	s7 =	sadd.s32 s26, s4;
	[dreg:$0x1d] =	wrdreg s25  }
0x2a: {  	s10 =	simm.s32 $0x3;
	s8 =	sadd.s32 s22, s2;
	[dreg:$0x18] =	wrdreg s7  }
0x2b: {  	s26 =	sshll.u32 s24, $0x7;
	s11 =	sadd.s32 s24, s4;
	[dreg:$0x1c] =	wrdreg s8  }
0x2c: {  	s9 =	sshll.u32 s24, $0x4;
	s23 =	sadd.s32 s16, s4;
	[smem:$0x7F3] =	sst s11  }
0x2d: {  	s13 =	sshll.u32 s12, $0x7;
	s7 =	sadd.s32 s17, s3;
	[smem:$0x7F9] =	sst s23  }
0x2e: {  	s19 =	sshll.u32 s16, $0x7;
	s8 =	sadd.s32 s26, s2;
	[dreg:$0x1a] =	wrdreg s7  }
0x2f: {  	s22 =	sshll.u32 s16, $0x4;
	s17 =	sadd.s32 s15, s3;
	[dreg:$0x1f] =	wrdreg s8  }
0x30: {  	s11 =	simm.s32 $0x2;
	s7 =	sadd.s32 s20, s4;
	[smem:$0x7F5] =	sst s17  }
0x31: {  	s15 =	simm.s32 $0x5;
	s8 =	sadd.s32 s13, s2;
	[dreg:$0x1e] =	wrdreg s7  }
0x32: {  	s20 =	sadd.s32 s19, s2;
	s19 =	sadd.s32 s6, s4;
	[smem:$0x7F4] =	sst s8  }
0x33: {  	s6 =	sadd.s32 $0x230, s6;
	s7 =	sadd.s32 s9, s3;
	[smem:$0x7F7] =	sst s20  }
0x34: {  	s24 =	sshll.u32 s6, $0x7;
	s25 =	sshll.u32 s6, $0x4;
	s6 =	sadd.s32 s6, s4  }
0x35: {  	s8 =	simm.s32 $0x7CB0;
	s9 =	simm.s32 $0x1;
	[smem:$0x7F2] =	sst s7  }
0x36: {  	s20 =	simm.s32 $0x6;
	s7 =	sadd.s32 s12, s4;
	[smem:$0x7FC] =	sst s6  }
0x37: {  	s26 =	sadd.s32 s25, s3;
	s6 =	simm.s32 $0x2760;
	[smem:$0x7F6] =	sst s7  }
0x38: {  	s12 =	simm.s32 $0x4;
	s7 =	sadd.s32 s22, s3;
	[smem:$0x7FB] =	sst s26  }
0x39: {  	s26 =	simm.s32 $0x27B0;
	[smem:$0x7F8] =	sst s7;
	s7 =	sadd.s32 s24, s2  }
0x3a: {  	s22 =	simm.s32 $0x0;
	[smem:$0x7FA] =	sst s7;
	s7 =	simm.s32 $0x4FB0  }
.LBB2_1:
0x3b: {  	s13 =	rddreg [dreg:$0x9]  }
0x3c: {  	[tilespmem:s26], [sflag:$0x7] =	stream.linear.gather [hbm4b:s13+s5], $0x2800, $0x38;
	[tilespmem:$0x1EC80] =	vst v63  }
0x3d: {  	_ =	swait.ge [sflag:s28], $0x2800  }
0x3e: {  	[sflag:s28] =	ssyncset.done $0x0  }
0x3f: {  	s24 =	rddreg [dreg:$0xa];
	[sflag:s28] =	ssyncadd.s32 $0xFFFFD800  }
0x40: {  	[tilespmem:s29], [sflag:$0x7] =	stream.linear.gather [hbm4b:s24+s5], $0x500, $0x38;
	[tilespmem:$0x1EC80] =	vst v63  }
0x41: {  	_ =	swait.ge [sflag:s28], $0x500  }
0x42: {  	[sflag:s28] =	ssyncset.done $0x0  }
0x43: {  	s25 =	rddreg [dreg:$0xb];
	[sflag:s28] =	ssyncadd.s32 $0xFFFFFB00  }
0x44: {  	[tilespmem:s30], [sflag:$0x7] =	stream.linear.gather [hbm4b:s25+s5], $0x50, $0x38;
	[tilespmem:$0x1EC80] =	vst v63  }
0x45: {  	_ =	swait.ge [sflag:s28], $0x50  }
0x46: {  	[sflag:s28] =	ssyncset.done $0x0  }
0x47: {  	[sflag:s28] =	ssyncadd.s32 $0xFFFFFFB0  }
0x48: {  	[spmem:s18] =	stream.linear.scatter [tilespmem:s26], [sflag:$0x7], $0x2800, $0x38;
	[tilespmem:$0x1EC80] =	vst v63  }
0x49: {  	_ =	swait.ge [sflag:s28], $0x2800  }
0x4a: {  	[sflag:s28] =	ssyncset.done $0x0  }
0x4b: {  	[sflag:s28] =	ssyncadd.s32 $0xFFFFD800  }
0x4c: {  	[spmem:s21] =	stream.linear.scatter [tilespmem:s29], [sflag:$0x7], $0x500, $0x38;
	[tilespmem:$0x1EC80] =	vst v63  }
0x4d: {  	_ =	swait.ge [sflag:s28], $0x500  }
0x4e: {  	[sflag:s28] =	ssyncset.done $0x0  }
0x4f: {  	[sflag:s28] =	ssyncadd.s32 $0xFFFFFB00  }
0x50: {  	[spmem:s19] =	stream.linear.scatter [tilespmem:s30], [sflag:$0x7], $0x50, $0x38;
	[tilespmem:$0x1EC80] =	vst v63  }
0x51: {  	_ =	swait.ge [sflag:s28], $0x50  }
0x52: {  	[sflag:s28] =	ssyncset.done $0x0  }
0x53: {  	s16 =	rddreg [dreg:$0x16];
	[sflag:s28] =	ssyncadd.s32 $0xFFFFFFB0  }
0x54: {  	[spmem:s16] =	stream.linear.scatter [tilespmem:s26], [sflag:$0x7], $0x2800, $0x38;
	[tilespmem:$0x1EC80] =	vst v63  }
0x55: {  	_ =	swait.ge [sflag:s28], $0x2800  }
0x56: {  	[sflag:s28] =	ssyncset.done $0x0  }
0x57: {  	s17 =	rddreg [dreg:$0x17];
	[sflag:s28] =	ssyncadd.s32 $0xFFFFD800  }
0x58: {  	[spmem:s17] =	stream.linear.scatter [tilespmem:s29], [sflag:$0x7], $0x500, $0x38;
	[tilespmem:$0x1EC80] =	vst v63  }
0x59: {  	_ =	swait.ge [sflag:s28], $0x500  }
0x5a: {  	[sflag:s28] =	ssyncset.done $0x0  }
0x5b: {  	s23 =	rddreg [dreg:$0x18];
	[sflag:s28] =	ssyncadd.s32 $0xFFFFFB00  }
0x5c: {  	[spmem:s23] =	stream.linear.scatter [tilespmem:s30], [sflag:$0x7], $0x50, $0x38;
	[tilespmem:$0x1EC80] =	vst v63  }
0x5d: {  	_ =	swait.ge [sflag:s28], $0x50  }
0x5e: {  	[sflag:s28] =	ssyncset.done $0x0  }
0x5f: {  	s24 =	rddreg [dreg:$0x19];
	[sflag:s28] =	ssyncadd.s32 $0xFFFFFFB0  }
0x60: {  	[spmem:s24] =	stream.linear.scatter [tilespmem:s26], [sflag:$0x7], $0x2800, $0x38;
	[tilespmem:$0x1EC80] =	vst v63  }
0x61: {  	_ =	swait.ge [sflag:s28], $0x2800  }
0x62: {  	[sflag:s28] =	ssyncset.done $0x0  }
0x63: {  	s25 =	rddreg [dreg:$0x1a];
	[sflag:s28] =	ssyncadd.s32 $0xFFFFD800  }
0x64: {  	[spmem:s25] =	stream.linear.scatter [tilespmem:s29], [sflag:$0x7], $0x500, $0x38;
	[tilespmem:$0x1EC80] =	vst v63  }
0x65: {  	_ =	swait.ge [sflag:s28], $0x500  }
0x66: {  	[sflag:s28] =	ssyncset.done $0x0  }
0x67: {  	s16 =	rddreg [dreg:$0x1b];
	[sflag:s28] =	ssyncadd.s32 $0xFFFFFB00  }
0x68: {  	[spmem:s16] =	stream.linear.scatter [tilespmem:s30], [sflag:$0x7], $0x50, $0x38;
	[tilespmem:$0x1EC80] =	vst v63  }
0x69: {  	_ =	swait.ge [sflag:s28], $0x50  }
0x6a: {  	[sflag:s28] =	ssyncset.done $0x0  }
0x6b: {  	s17 =	rddreg [dreg:$0x1c];
	[sflag:s28] =	ssyncadd.s32 $0xFFFFFFB0  }
0x6c: {  	[spmem:s17] =	stream.linear.scatter [tilespmem:s26], [sflag:$0x7], $0x2800, $0x38;
	[tilespmem:$0x1EC80] =	vst v63  }
0x6d: {  	_ =	swait.ge [sflag:s28], $0x2800  }
0x6e: {  	[sflag:s28] =	ssyncset.done $0x0  }
0x6f: {  	s23 =	rddreg [dreg:$0x1d];
	[sflag:s28] =	ssyncadd.s32 $0xFFFFD800  }
0x70: {  	[spmem:s23] =	stream.linear.scatter [tilespmem:s29], [sflag:$0x7], $0x500, $0x38;
	[tilespmem:$0x1EC80] =	vst v63  }
0x71: {  	_ =	swait.ge [sflag:s28], $0x500  }
0x72: {  	[sflag:s28] =	ssyncset.done $0x0  }
0x73: {  	s24 =	rddreg [dreg:$0x1e];
	[sflag:s28] =	ssyncadd.s32 $0xFFFFFB00  }
0x74: {  	[spmem:s24] =	stream.linear.scatter [tilespmem:s30], [sflag:$0x7], $0x50, $0x38;
	[tilespmem:$0x1EC80] =	vst v63  }
0x75: {  	_ =	swait.ge [sflag:s28], $0x50  }
0x76: {  	[sflag:s28] =	ssyncset.done $0x0  }
0x77: {  	s25 =	rddreg [dreg:$0x1f];
	[sflag:s28] =	ssyncadd.s32 $0xFFFFFFB0  }
0x78: {  	[spmem:s25] =	stream.linear.scatter [tilespmem:s26], [sflag:$0x7], $0x2800, $0x38;
	[tilespmem:$0x1EC80] =	vst v63  }
0x79: {  	_ =	swait.ge [sflag:s28], $0x2800  }
0x7a: {  	s16 =	sld [smem:$0x7F2]  }
0x7b: {  	[sflag:s28] =	ssyncset.done $0x0  }
0x7c: {  	[sflag:s28] =	ssyncadd.s32 $0xFFFFD800  }
0x7d: {  	[spmem:s16] =	stream.linear.scatter [tilespmem:s29], [sflag:$0x7], $0x500, $0x38;
	[tilespmem:$0x1EC80] =	vst v63  }
0x7e: {  	_ =	swait.ge [sflag:s28], $0x500  }
0x7f: {  	s17 =	sld [smem:$0x7F3]  }
0x80: {  	[sflag:s28] =	ssyncset.done $0x0  }
0x81: {  	[sflag:s28] =	ssyncadd.s32 $0xFFFFFB00  }
0x82: {  	[spmem:s17] =	stream.linear.scatter [tilespmem:s30], [sflag:$0x7], $0x50, $0x38;
	[tilespmem:$0x1EC80] =	vst v63  }
0x83: {  	_ =	swait.ge [sflag:s28], $0x50  }
0x84: {  	s23 =	sld [smem:$0x7F4]  }
0x85: {  	[sflag:s28] =	ssyncset.done $0x0  }
0x86: {  	[sflag:s28] =	ssyncadd.s32 $0xFFFFFFB0  }
0x87: {  	[spmem:s23] =	stream.linear.scatter [tilespmem:s26], [sflag:$0x7], $0x2800, $0x38;
	[tilespmem:$0x1EC80] =	vst v63  }
0x88: {  	_ =	swait.ge [sflag:s28], $0x2800  }
0x89: {  	s24 =	sld [smem:$0x7F5]  }
0x8a: {  	[sflag:s28] =	ssyncset.done $0x0  }
0x8b: {  	[sflag:s28] =	ssyncadd.s32 $0xFFFFD800  }
0x8c: {  	[spmem:s24] =	stream.linear.scatter [tilespmem:s29], [sflag:$0x7], $0x500, $0x38;
	[tilespmem:$0x1EC80] =	vst v63  }
0x8d: {  	_ =	swait.ge [sflag:s28], $0x500  }
0x8e: {  	s25 =	sld [smem:$0x7F6]  }
0x8f: {  	[sflag:s28] =	ssyncset.done $0x0  }
0x90: {  	[sflag:s28] =	ssyncadd.s32 $0xFFFFFB00  }
0x91: {  	[spmem:s25] =	stream.linear.scatter [tilespmem:s30], [sflag:$0x7], $0x50, $0x38;
	[tilespmem:$0x1EC80] =	vst v63  }
0x92: {  	_ =	swait.ge [sflag:s28], $0x50  }
0x93: {  	s16 =	sld [smem:$0x7F7]  }
0x94: {  	[sflag:s28] =	ssyncset.done $0x0  }
0x95: {  	[sflag:s28] =	ssyncadd.s32 $0xFFFFFFB0  }
0x96: {  	[spmem:s16] =	stream.linear.scatter [tilespmem:s26], [sflag:$0x7], $0x2800, $0x38;
	[tilespmem:$0x1EC80] =	vst v63  }
0x97: {  	_ =	swait.ge [sflag:s28], $0x2800  }
0x98: {  	s17 =	sld [smem:$0x7F8]  }
0x99: {  	[sflag:s28] =	ssyncset.done $0x0  }
0x9a: {  	[sflag:s28] =	ssyncadd.s32 $0xFFFFD800  }
0x9b: {  	[spmem:s17] =	stream.linear.scatter [tilespmem:s29], [sflag:$0x7], $0x500, $0x38;
	[tilespmem:$0x1EC80] =	vst v63  }
0x9c: {  	_ =	swait.ge [sflag:s28], $0x500  }
0x9d: {  	s23 =	sld [smem:$0x7F9]  }
0x9e: {  	[sflag:s28] =	ssyncset.done $0x0  }
0x9f: {  	[sflag:s28] =	ssyncadd.s32 $0xFFFFFB00  }
0xa0: {  	[spmem:s23] =	stream.linear.scatter [tilespmem:s30], [sflag:$0x7], $0x50, $0x38;
	[tilespmem:$0x1EC80] =	vst v63  }
0xa1: {  	_ =	swait.ge [sflag:s28], $0x50  }
0xa2: {  	s24 =	sld [smem:$0x7FA]  }
0xa3: {  	[sflag:s28] =	ssyncset.done $0x0  }
0xa4: {  	[sflag:s28] =	ssyncadd.s32 $0xFFFFFFB0  }
0xa5: {  	[spmem:s24] =	stream.linear.scatter [tilespmem:s26], [sflag:$0x7], $0x2800, $0x38;
	[tilespmem:$0x1EC80] =	vst v63  }
0xa6: {  	_ =	swait.ge [sflag:s28], $0x2800  }
0xa7: {  	s25 =	sld [smem:$0x7FB]  }
0xa8: {  	[sflag:s28] =	ssyncset.done $0x0  }
0xa9: {  	[sflag:s28] =	ssyncadd.s32 $0xFFFFD800  }
0xaa: {  	[spmem:s25] =	stream.linear.scatter [tilespmem:s29], [sflag:$0x7], $0x500, $0x38;
	[tilespmem:$0x1EC80] =	vst v63  }
0xab: {  	_ =	swait.ge [sflag:s28], $0x500  }
0xac: {  	s16 =	sld [smem:$0x7FC]  }
0xad: {  	[sflag:s28] =	ssyncset.done $0x0  }
0xae: {  	[sflag:s28] =	ssyncadd.s32 $0xFFFFFB00  }
0xaf: {  	[spmem:s16] =	stream.linear.scatter [tilespmem:s30], [sflag:$0x7], $0x50, $0x38;
	[tilespmem:$0x1EC80] =	vst v63  }
0xb0: {  	_ =	swait.ge [sflag:s28], $0x50  }
0xb1: {  	[sflag:s28] =	ssyncset.done $0x0  }
0xb2: {  	s17 =	rddreg [dreg:$0xc];
	[sflag:s28] =	ssyncadd.s32 $0xFFFFFFB0  }
0xb3: {  	[tilespmem:s30], [sflag:$0x7] =	stream.linear.gather [hbm4b:s17+s5], $0x50, $0x38;
	[tilespmem:$0x1EC80] =	vst v63  }
0xb4: {  	_ =	swait.ge [sflag:s28], $0x50  }
0xb5: {  	[sflag:s28] =	ssyncset.done $0x0  }
0xb6: {  	s23 =	rddreg [dreg:$0xd];
	[sflag:s28] =	ssyncadd.s32 $0xFFFFFFB0  }
0xb7: {  	[tilespmem:s5], [sflag:$0x7] =	stream.linear.gather [hbm4b:s23+s5], $0x2710, $0x38;
	[tilespmem:$0x1EC80] =	vst v63  }
0xb8: {  	_ =	swait.ge [sflag:s28], $0x2710  }
0xb9: {  	[sflag:s28] =	ssyncset.done $0x0  }
0xba: {  	[sflag:s28] =	ssyncadd.s32 $0xFFFFD8F0  }
0xbb: {  	[bflag:$0x0] =	sbarrier.arrive $0xFFFF  }
0xbc: {  	s17 =	rddreg [dreg:$0x12]  }
0xbd: {  	[tilespmem:s31], [sflag:$0x7] =	stream.linear.gather [hbm4b:s17+s5], $0x50, $0x38;
	[tilespmem:$0x1EC80] =	vst v63  }
0xbe: {  	_ =	swait.ge [sflag:s28], $0x50  }
0xbf: {  	[sflag:s28] =	ssyncset.done $0x0  }
0xc0: {  	s24 =	simm.s32 $0x0;
	[sflag:s28] =	ssyncadd.s32 $0xFFFFFFB0  }
0xc1: {  	[tilespmem:s26], [sflag:$0x1] =	stream.indirect.gather [hbm4b:s0+s1], $0x80, s24, s1, $0xb8;
	[tilespmem:$0x1EC80] =	vst v63  }
0xc2: {  	s16 =	rddreg [dreg:$0x10]  }
0xc3: {  	[tilespmem:s29], [sflag:$0x3] =	stream.linear.gather [hbm4b:s16+s5], $0x500, $0x38;
	[tilespmem:$0x1EC80] =	vst v63  }
0xc4: {  	_ = 	snop  }
0xc5: {  	[tilespmem:s6], [sflag:$0x7] =	stream.linear.gather [hbm4b:s14+s5], $0x50, $0x38;
	[tilespmem:$0x1EC80] =	vst v63  }
0xc6: {  	_ =	swait.ge [sflag:s28], $0x50  }
0xc7: {  	[sflag:s28] =	ssyncset.done $0x0  }
0xc8: {  	s25 =	simm.s32 $0x50;
	[sflag:s28] =	ssyncadd.s32 $0xFFFFFFB0  }
0xc9: {  	[tilespmem:s7], [sflag:$0x2] =	stream.indirect.gather [hbm4b:s0+s1], $0x80, s25, s1, $0xb8;
	[tilespmem:$0x1EC80] =	vst v63  }
0xca: {  	s13 =	rddreg [dreg:$0xf]  }
0xcb: {  	[tilespmem:s8], [sflag:$0x4] =	stream.linear.gather [hbm4b:s13+s5], $0x500, $0x38;
	[tilespmem:$0x1EC80] =	vst v63  }
0xcc: {  	_ =	swait.ge [sflag:s9], $0x2800  }
0xcd: {  	[sflag:s9] =	ssyncset.done $0x0  }
0xce: {  	[sflag:s9] =	ssyncadd.s32 $0xFFFFD800  }
0xcf: {  	_ =	swait.ge [sflag:s10], $0x500  }
0xd0: {  	[sflag:s10] =	ssyncset.done $0x0  }
0xd1: {  	[sflag:s10] =	ssyncadd.s32 $0xFFFFFB00  }
0xd2: {  	[spmem:s2] =	stream.indirect.scatter.add.f32 [tilespmem:s26], [sflag:$0x5], $0x80, s31, s1, $0xb8;
	[tilespmem:$0x1EC80] =	vst v63  }
0xd3: {  	_ = 	snop  }
0xd4: {  	[spmem:s3] =	stream.indirect.scatter.add.f32 [tilespmem:s29], [sflag:$0x5], $0x10, s31, s1, $0xb8;
	[tilespmem:$0x1EC80] =	vst v63  }
0xd5: {  	_ = 	snop  }
0xd6: {  	[spmem:s4] =	stream.indirect.scatter.add.f32 [tilespmem:s30], [sflag:$0x5], $0x1, s31, s1, $0xb8;
	[tilespmem:$0x1EC80] =	vst v63  }
0xd7: {  	_ =	swait.ge [sflag:s11], $0x2800  }
0xd8: {  	[sflag:s11] =	ssyncset.done $0x0  }
0xd9: {  	[sflag:s11] =	ssyncadd.s32 $0xFFFFD800  }
0xda: {  	_ =	swait.ge [sflag:s12], $0x500  }
0xdb: {  	[sflag:s12] =	ssyncset.done $0x0  }
0xdc: {  	[sflag:s12] =	ssyncadd.s32 $0xFFFFFB00  }
0xdd: {  	[spmem:s2] =	stream.indirect.scatter.add.f32 [tilespmem:s7], [sflag:$0x6], $0x80, s6, s1, $0xb8;
	[tilespmem:$0x1EC80] =	vst v63  }
0xde: {  	_ = 	snop  }
0xdf: {  	[spmem:s3] =	stream.indirect.scatter.add.f32 [tilespmem:s8], [sflag:$0x6], $0x10, s6, s1, $0xb8;
	[tilespmem:$0x1EC80] =	vst v63  }
0xe0: {  	_ = 	snop  }
0xe1: {  	[spmem:s4] =	stream.indirect.scatter.add.f32 [tilespmem:s30], [sflag:$0x6], $0x1, s6, s1, $0xb8;
	[tilespmem:$0x1EC80] =	vst v63  }
0xe2: {  	_ =	swait.ge [sflag:s15], $0x2800  }
0xe3: {  	[sflag:s15] =	ssyncset.done $0x0  }
0xe4: {  	[sflag:s15] =	ssyncadd.s32 $0xFFFFD800  }
0xe5: {  	_ =	swait.ge [sflag:s15], $0x500  }
0xe6: {  	[sflag:s15] =	ssyncset.done $0x0  }
0xe7: {  	[sflag:s15] =	ssyncadd.s32 $0xFFFFFB00  }
0xe8: {  	_ =	swait.ge [sflag:s15], $0x50  }
0xe9: {  	[sflag:s15] =	ssyncset.done $0x0  }
0xea: {  	[sflag:s15] =	ssyncadd.s32 $0xFFFFFFB0  }
0xeb: {  	_ =	swait.ge [sflag:s20], $0x2800  }
0xec: {  	[sflag:s20] =	ssyncset.done $0x0  }
0xed: {  	[sflag:s20] =	ssyncadd.s32 $0xFFFFD800  }
0xee: {  	_ =	swait.ge [sflag:s20], $0x500  }
0xef: {  	[sflag:s20] =	ssyncset.done $0x0  }
0xf0: {  	[sflag:s20] =	ssyncadd.s32 $0xFFFFFB00  }
0xf1: {  	s23 =	simm.s32 $0x280;
	s24 =	sadd.s32 $0x140, s16;
	_ =	swait.ge [sflag:s20], $0x50  }
0xf2: {  	s16 =	smov.u32 s14;
	s25 =	sadd.s32 $0x14, s17;
	[sflag:s20] =	ssyncset.done $0x0  }
.LBB2_2:
0xf3: {  	[sflag:s20] =	ssyncadd.s32 $0xFFFFFFB0  }
0xf4: {  	s13 =	sadd.s32 $0x140, s13;
	s16 =	sadd.s32 $0x14, s16;
	s17 =	smov.u32 s23  }
0xf5: {  	[tilespmem:s31], [sflag:$0x7] =	stream.linear.gather [hbm4b:s25+s5], $0x50, $0x38;
	[tilespmem:$0x1EC80] =	vst v63  }
0xf6: {  	p0 =	sne.s32 s23, $0x9880;
	s23 =	sadd.s32 $0x280, s23;
	_ =	swait.ge [sflag:s28], $0x50  }
0xf7: {  	[sflag:s28] =	ssyncset.done $0x0  }
0xf8: {  	s17 =	sshra.s32 s17, $0x2;
	[sflag:s28] =	ssyncadd.s32 $0xFFFFFFB0  }
0xf9: {  	[tilespmem:s26], [sflag:$0x1] =	stream.indirect.gather [hbm4b:s0+s1], $0x80, s17, s1, $0xb8;
	[tilespmem:$0x1EC80] =	vst v63  }
0xfa: {  	_ = 	snop  }
0xfb: {  	[tilespmem:s29], [sflag:$0x3] =	stream.linear.gather [hbm4b:s24+s5], $0x500, $0x38;
	[tilespmem:$0x1EC80] =	vst v63  }
0xfc: {  	_ = 	snop  }
0xfd: {  	[tilespmem:s6], [sflag:$0x7] =	stream.linear.gather [hbm4b:s16+s5], $0x50, $0x38;
	[tilespmem:$0x1EC80] =	vst v63  }
0xfe: {  	_ =	swait.ge [sflag:s28], $0x50  }
0xff: {  	[sflag:s28] =	ssyncset.done $0x0  }
0x100: {  	s17 =	sadd.s32 $0x50, s17;
	[sflag:s28] =	ssyncadd.s32 $0xFFFFFFB0  }
0x101: {  	[tilespmem:s7], [sflag:$0x2] =	stream.indirect.gather [hbm4b:s0+s1], $0x80, s17, s1, $0xb8;
	[tilespmem:$0x1EC80] =	vst v63  }
0x102: {  	_ = 	snop  }
0x103: {  	[tilespmem:s8], [sflag:$0x4] =	stream.linear.gather [hbm4b:s13+s5], $0x500, $0x38;
	[tilespmem:$0x1EC80] =	vst v63  }
0x104: {  	_ =	swait.ge [sflag:s9], $0x2800  }
0x105: {  	[sflag:s9] =	ssyncset.done $0x0  }
0x106: {  	[sflag:s9] =	ssyncadd.s32 $0xFFFFD800  }
0x107: {  	_ =	swait.ge [sflag:s10], $0x500  }
0x108: {  	[sflag:s10] =	ssyncset.done $0x0  }
0x109: {  	[sflag:s10] =	ssyncadd.s32 $0xFFFFFB00  }
0x10a: {  	[spmem:s2] =	stream.indirect.scatter.add.f32 [tilespmem:s26], [sflag:$0x5], $0x80, s31, s1, $0xb8;
	[tilespmem:$0x1EC80] =	vst v63  }
0x10b: {  	_ = 	snop  }
0x10c: {  	[spmem:s3] =	stream.indirect.scatter.add.f32 [tilespmem:s29], [sflag:$0x5], $0x10, s31, s1, $0xb8;
	[tilespmem:$0x1EC80] =	vst v63  }
0x10d: {  	_ = 	snop  }
0x10e: {  	[spmem:s4] =	stream.indirect.scatter.add.f32 [tilespmem:s30], [sflag:$0x5], $0x1, s31, s1, $0xb8;
	[tilespmem:$0x1EC80] =	vst v63  }
0x10f: {  	_ =	swait.ge [sflag:s11], $0x2800  }
0x110: {  	[sflag:s11] =	ssyncset.done $0x0  }
0x111: {  	[sflag:s11] =	ssyncadd.s32 $0xFFFFD800  }
0x112: {  	_ =	swait.ge [sflag:s12], $0x500  }
0x113: {  	[sflag:s12] =	ssyncset.done $0x0  }
0x114: {  	[sflag:s12] =	ssyncadd.s32 $0xFFFFFB00  }
0x115: {  	[spmem:s2] =	stream.indirect.scatter.add.f32 [tilespmem:s7], [sflag:$0x6], $0x80, s6, s1, $0xb8;
	[tilespmem:$0x1EC80] =	vst v63  }
0x116: {  	_ = 	snop  }
0x117: {  	[spmem:s3] =	stream.indirect.scatter.add.f32 [tilespmem:s8], [sflag:$0x6], $0x10, s6, s1, $0xb8;
	[tilespmem:$0x1EC80] =	vst v63  }
0x118: {  	_ = 	snop  }
0x119: {  	[spmem:s4] =	stream.indirect.scatter.add.f32 [tilespmem:s30], [sflag:$0x6], $0x1, s6, s1, $0xb8;
	[tilespmem:$0x1EC80] =	vst v63  }
0x11a: {  	_ =	swait.ge [sflag:s15], $0x2800  }
0x11b: {  	[sflag:s15] =	ssyncset.done $0x0  }
0x11c: {  	[sflag:s15] =	ssyncadd.s32 $0xFFFFD800  }
0x11d: {  	_ =	swait.ge [sflag:s15], $0x500  }
0x11e: {  	[sflag:s15] =	ssyncset.done $0x0  }
0x11f: {  	[sflag:s15] =	ssyncadd.s32 $0xFFFFFB00  }
0x120: {  	_ =	swait.ge [sflag:s15], $0x50  }
0x121: {  	[sflag:s15] =	ssyncset.done $0x0  }
0x122: {  	[sflag:s15] =	ssyncadd.s32 $0xFFFFFFB0  }
0x123: {  	_ =	swait.ge [sflag:s20], $0x2800  }
0x124: {  	[sflag:s20] =	ssyncset.done $0x0  }
0x125: {  	[sflag:s20] =	ssyncadd.s32 $0xFFFFD800  }
.Ltmp0:
0x126: {  	_ =	swait.ge [sflag:s20], $0x500;
	(pc) =	sbr.rel @p0 .LBB2_2-.Ltmp0, $4  }
0x127: {  	[sflag:s20] =	ssyncset.done $0x0  }
0x128: {  	[sflag:s20] =	ssyncadd.s32 $0xFFFFFB00  }
0x129: {  	_ =	swait.ge [sflag:s20], $0x50  }
0x12a: {  	s25 =	sadd.s32 $0x14, s25;
	s24 =	sadd.s32 $0x140, s24;
	[sflag:s20] =	ssyncset.done $0x0  }
0x12b: {  	[sflag:s20] =	ssyncadd.s32 $0xFFFFFFB0;
	s13 =	rddreg [dreg:$0x11]  }
0x12c: {  	[tilespmem:s31], [sflag:$0x7] =	stream.linear.gather [hbm4b:s13+s5], $0x50, $0x38;
	[tilespmem:$0x1EC80] =	vst v63  }
0x12d: {  	_ =	swait.ge [sflag:s28], $0x50  }
0x12e: {  	[sflag:s28] =	ssyncset.done $0x0  }
0x12f: {  	s16 =	simm.s32 $0x26C0;
	[sflag:s28] =	ssyncadd.s32 $0xFFFFFFB0  }
0x130: {  	[tilespmem:s26], [sflag:$0x1] =	stream.indirect.gather [hbm4b:s0+s1], $0x80, s16, s1, $0xb8;
	[tilespmem:$0x1EC80] =	vst v63  }
0x131: {  	s17 =	rddreg [dreg:$0xe]  }
0x132: {  	[tilespmem:s29], [sflag:$0x3] =	stream.linear.gather [hbm4b:s17+s5], $0x500, $0x38;
	[tilespmem:$0x1EC80] =	vst v63  }
0x133: {  	_ =	swait.ge [sflag:s9], $0x2800  }
0x134: {  	[sflag:s9] =	ssyncset.done $0x0  }
0x135: {  	[sflag:s9] =	ssyncadd.s32 $0xFFFFD800  }
0x136: {  	_ =	swait.ge [sflag:s10], $0x500  }
0x137: {  	[sflag:s10] =	ssyncset.done $0x0  }
0x138: {  	[sflag:s10] =	ssyncadd.s32 $0xFFFFFB00  }
0x139: {  	[spmem:s2] =	stream.indirect.scatter.add.f32 [tilespmem:s26], [sflag:$0x5], $0x80, s31, s1, $0xb8;
	[tilespmem:$0x1EC80] =	vst v63  }
0x13a: {  	_ = 	snop  }
0x13b: {  	[spmem:s3] =	stream.indirect.scatter.add.f32 [tilespmem:s29], [sflag:$0x5], $0x10, s31, s1, $0xb8;
	[tilespmem:$0x1EC80] =	vst v63  }
0x13c: {  	_ = 	snop  }
0x13d: {  	[spmem:s4] =	stream.indirect.scatter.add.f32 [tilespmem:s30], [sflag:$0x5], $0x1, s31, s1, $0xb8;
	[tilespmem:$0x1EC80] =	vst v63  }
0x13e: {  	_ =	swait.ge [sflag:s15], $0x2800  }
0x13f: {  	[sflag:s15] =	ssyncset.done $0x0  }
0x140: {  	[sflag:s15] =	ssyncadd.s32 $0xFFFFD800  }
0x141: {  	_ =	swait.ge [sflag:s15], $0x500  }
0x142: {  	[sflag:s15] =	ssyncset.done $0x0  }
0x143: {  	[sflag:s15] =	ssyncadd.s32 $0xFFFFFB00  }
0x144: {  	_ =	swait.ge [sflag:s15], $0x50  }
0x145: {  	[sflag:s15] =	ssyncset.done $0x0  }
0x146: {  	s23 =	stileid.u32;
	[sflag:s15] =	ssyncadd.s32 $0xFFFFFFB0  }
0x147: {  	s13 =	sshll.u32 s23, $0x6;
	[bflag:$0x0] =	sbarrier.arrive $0xFFFF  }
0x148: {  	s13 =	sor.u32 $0x1C07, s13;
	s16 =	sshrl.u32 s18, $0x3;
	s17 =	rddreg [dreg:$0x13]  }
0x149: {  	[hbm:s17], [sflag:s13] =	dma.local [spmem:s16], $0x2800  }
0x14a: {  	_ =	swait.ge [sflag:s28], $0x2800  }
0x14b: {  	[sflag:s28] =	ssyncset.done $0x0  }
0x14c: {  	s24 =	sshrl.u32 s21, $0x3;
	s25 =	rddreg [dreg:$0x14];
	[sflag:s28] =	ssyncadd.s32 $0xFFFFD800  }
0x14d: {  	[hbm:s25], [sflag:s13] =	dma.local [spmem:s24], $0x500  }
0x14e: {  	_ =	swait.ge [sflag:s28], $0x500  }
0x14f: {  	[sflag:s28] =	ssyncset.done $0x0  }
0x150: {  	s23 =	sshrl.u32 s19, $0x3;
	s24 =	rddreg [dreg:$0x15];
	[sflag:s28] =	ssyncadd.s32 $0xFFFFFB00  }
0x151: {  	[hbm:s24], [sflag:s13] =	dma.local [spmem:s23], $0x50  }
0x152: {  	_ =	swait.ge [sflag:s28], $0x50  }
0x153: {  	s25 =	sld [smem:$0x7FD];
	_ =	sdelay $0x1  }
0x154: {  	s22 =	sadd.s32 $0x1, s22  }
0x155: {  	p0 =	sne.s32 s22, s25  }
.Ltmp1:
0x156: {  	_ = 	snop;
	(pc) =	sbr.rel @p0 .LBB2_1-.Ltmp1, $3  }
0x157: {  	_ =	sdelay $0x1  }
0x158: {  	[sflag:s28] =	ssyncset.done $0x0  }
0x159: {  	[sflag:s28] =	ssyncadd.s32 $0xFFFFFFB0  }
0x15a: {  	_ =	sfence.sel $0x180000  }
0x15b: {  	[bflag:$0x0] =	sbarrier.arrive $0xFFFF  }
0x15c: {  	_ =	strace $0x90000047  }
0x15d: {  	s0 =	stileid.u32;
	[bflag:$0x2] =	sbarrier.arrive $0xFFFF  }
0x15e: {  	p0 =	sne.s32 s0, $0x0;
	s0 =	rddreg [dreg:$0x8]  }
0x15f: {  	s0 =	sadd.s32 @!p0 $0x100000, s0  }
0x160: {  	[sflag:s0] =	ssyncadd.tile.s32 @!p0 $0x1;
	_ =	shalt  }
.Lfunc_end2:
_tile_overlayer_lowered:
.L_overlay_start_2:
0x161: {  	(tag) =	ssettag $0x2  }
0x162: {  	s0 =	rddreg [dreg:$0x0];
	s2 =	stileid.u32  }
0x163: {  	s1 =	rddreg [dreg:$0x1];
	p0 =	sne.s32 s2, $0x0  }
0x164: {  	s3 =	rddreg [dreg:$0x2];
	[bflag:$0x3] =	sbarrier.arrive $0xFFFF;
	s2 =	simm.s32 @!p0 $0x1C07  }
0x165: {  	[timem:s3], [sflag:s2] =	dma.local @!p0 [hbm:s0], s1  }
0x166: {  	s0 =	simm.s32 @!p0 $0x7  }
0x167: {  	_ =	swait.ge @!p0 [sflag:s0], s1  }
0x168: {  	s1 =	ssub.s32 @!p0 $0x0, s1;
	[sflag:s0] =	ssyncset.done @!p0 $0x0  }
0x169: {  	[sflag:s0] =	ssyncadd.s32 @!p0 s1  }
0x16a: {  	[bflag:$0x3] =	sbarrier.arrive $0xFFFF  }
0x16b: {  	_ =	shalt  }

</sc_bundles>
